<compile_context>
chip_gen: v7x
topology: tpu7x:2x2x1
jax: 0.10.2.dev20260603
libtpu: 0.0.44.dev20260713+nightly
codegen_flags: <defaults>
</compile_context>

<pallas_src>
import functools

import jax
import jax.numpy as jnp
from jax import lax
from jax.experimental import pallas as pl
from jax.experimental.pallas import tpu as pltpu
from jax.experimental.pallas import tpu_sc as plsc

B, N, NK, NN = 8, 10000, 64, 3
M = B * N
NC, NS = 2, 16
NW = NC * NS
CP = 160
NCHK = M // CP
RT = (NCHK + NW - 1) // NW
LANES = NK // 16
NKP = 128


def _project(normals, dirs):

    def body(n_ref, d_ref, o_ref):
        n = n_ref[0]
        d = d_ref[...]
        dn = d / jnp.maximum(
            jnp.sqrt(jnp.sum(d * d, axis=0, keepdims=True)), 1e-12)
        inv = 1.0 / jnp.maximum(
            jnp.sqrt(jnp.sum(n * n, axis=0, keepdims=True)), 1e-12)
        nh = n * inv
        o_ref[:, :NK] = lax.dot_general(
            nh, dn, (((0,), (0,)), ((), ())),
            preferred_element_type=jnp.float32)

    out = pl.pallas_call(
        body,
        grid=(B,),
        in_specs=[pl.BlockSpec((1, 3, N), lambda b: (b, 0, 0)),
                  pl.BlockSpec((3, NK), lambda b: (0, 0))],
        out_specs=pl.BlockSpec((N, NKP), lambda b: (b, 0)),
        out_shape=jax.ShapeDtypeStruct((M, NKP), jnp.float32),
    )(normals, dirs)
    return out


def _gather_max(proj, idx):
    mesh = plsc.VectorSubcoreMesh(core_axis_name="c", subcore_axis_name="s",
                                  num_cores=NC, num_subcores=NS)

    @functools.partial(
        pl.kernel,
        mesh=mesh,
        compiler_params=pltpu.CompilerParams(use_tc_tiling_on_sc=False),
        out_type=(jax.ShapeDtypeStruct((M, NKP), jnp.float32),
                  jax.ShapeDtypeStruct((NW, 2 * NK), jnp.float32)),
        scratch_types=[
            pltpu.VMEM((RT, NN, CP), jnp.int32),
            pltpu.VMEM((CP, NKP), jnp.float32),
            pltpu.VMEM((CP, NKP), jnp.float32),
            pltpu.VMEM((CP, NKP), jnp.float32),
            pltpu.VMEM((CP, NKP), jnp.float32),
            pltpu.VMEM((CP, NKP), jnp.float32),
            pltpu.VMEM((2 * NK,), jnp.float32),
            pltpu.SemaphoreType.DMA,
            pltpu.SemaphoreType.DMA,
        ],
    )
    def body(proj_hbm, idx_hbm, feat_hbm, part_hbm,
             idx_v, g0, g1, g2, selfv, featv, pv, sem, wsem):
        wid = lax.axis_index("s") * NC + lax.axis_index("c")
        zero = jnp.zeros((16,), jnp.float32)
        n_rounds = (NCHK - wid + NW - 1) // NW
        pltpu.sync_copy(idx_hbm.at[wid], idx_v)
        pltpu.async_copy(featv, feat_hbm.at[pl.ds(wid * CP, CP)], wsem)

        def round_body(t, acc):
            chunk = wid + t * NW
            base = chunk * CP
            cp0 = pltpu.async_copy(proj_hbm.at[idx_v.at[t, 0]], g0, sem)
            cp1 = pltpu.async_copy(proj_hbm.at[idx_v.at[t, 1]], g1, sem)
            cp2 = pltpu.async_copy(proj_hbm.at[idx_v.at[t, 2]], g2, sem)
            pltpu.sync_copy(proj_hbm.at[pl.ds(base, CP)], selfv)
            pltpu.make_async_copy(
                featv, feat_hbm.at[pl.ds(wid * CP, CP)], wsem).wait()
            cp0.wait()
            cp1.wait()
            cp2.wait()

            def face(j, a):
                new = list(a)
                for c in range(LANES):
                    sl = pl.ds(c * 16, 16)
                    f = jnp.maximum(
                        jnp.maximum(g0[j, sl], g1[j, sl]),
                        jnp.maximum(g2[j, sl], selfv[j, sl]))
                    featv[j, sl] = f
                    new[2 * c] = a[2 * c] + f
                    new[2 * c + 1] = a[2 * c + 1] + f * f
                return tuple(new)

            acc = lax.fori_loop(0, CP, face, acc)
            pltpu.async_copy(featv, feat_hbm.at[pl.ds(base, CP)], wsem)
            return acc

        acc = lax.fori_loop(0, n_rounds, round_body, (zero,) * (2 * LANES))
        pltpu.make_async_copy(
            featv, feat_hbm.at[pl.ds(wid * CP, CP)], wsem).wait()
        for c in range(LANES):
            pv[pl.ds(c * 16, 16)] = acc[2 * c]
            pv[pl.ds(NK + c * 16, 16)] = acc[2 * c + 1]
        pltpu.sync_copy(pv, part_hbm.at[wid])

    return body(proj, idx)


def _bn_relu_transpose(feat, part, gamma, beta):

    def body(f_ref, p_ref, g_ref, b_ref, o_ref):
        tot = jnp.sum(p_ref[...], axis=0, keepdims=True)
        s = tot[:, :NK]
        sq = tot[:, NK:]
        mean = s / M
        var = sq / M - mean * mean
        scale = g_ref[...] / jnp.sqrt(var + 1e-5)
        bias = b_ref[...] - mean * scale
        y = jnp.maximum(f_ref[:, :NK] * scale + bias, 0.0)
        o_ref[0] = jnp.transpose(y)

    return pl.pallas_call(
        body,
        grid=(B,),
        in_specs=[pl.BlockSpec((N, NKP), lambda i: (i, 0)),
                  pl.BlockSpec((NW, 2 * NK), lambda i: (0, 0)),
                  pl.BlockSpec((1, NK), lambda i: (0, 0)),
                  pl.BlockSpec((1, NK), lambda i: (0, 0))],
        out_specs=pl.BlockSpec((1, NK, N), lambda i: (i, 0, 0)),
        out_shape=jax.ShapeDtypeStruct((B, NK, N), jnp.float32),
    )(feat, part, gamma, beta)


def kernel(normals, ring_n, directions, gamma, beta):
    offs = (jnp.arange(B, dtype=jnp.int32) * N)[:, None, None]
    gidx = jnp.transpose(ring_n + offs, (2, 0, 1)).reshape(NN, NCHK, CP)
    chunks = jnp.transpose(gidx, (1, 0, 2))
    chunks = jnp.pad(chunks, ((0, NW * RT - NCHK), (0, 0), (0, 0)))
    idx = jnp.transpose(chunks.reshape(RT, NW, NN, CP), (1, 0, 2, 3))

    proj = _project(normals, directions)
    feat, part = _gather_max(proj, idx)
    return _bn_relu_transpose(feat, part,
                              gamma.reshape(1, NK), beta.reshape(1, NK))

# --- scband reference (transcript-rebuilt; emitter-appended) ---
"""Pipeline reference for scband-mesh-texture-net-43748536877377 (READ-ONLY COPY).

The authoritative reference and input builder live on the scoring server;
editing this copy changes nothing except your own understanding.
"""

import jax, jax.numpy as jnp
import numpy as np

B, N, NK, NN = 8, 10000, 64, 3


def _normalize(x, axis):
    n = jnp.sqrt(jnp.sum(x * x, axis=axis, keepdims=True))
    return x / jnp.maximum(n, 1e-12)


def setup_inputs(seed: int = 0) -> dict:
    key = jax.random.key(seed)
    k1, k2, k3 = jax.random.split(key, 3)
    normals = jax.random.normal(k1, (B, 3, N), dtype=jnp.float32)
    ring_n = jax.random.randint(k2, (B, N, NN), 0, N, dtype=jnp.int32)
    stdv = 1.0 / np.sqrt(NK)
    directions = jax.random.uniform(k3, (3, NK), minval=-stdv, maxval=stdv, dtype=jnp.float32)
    gamma = jnp.ones((NK,), dtype=jnp.float32)
    beta = jnp.zeros((NK,), dtype=jnp.float32)
    return {"normals": normals, "ring_n": ring_n, "directions": directions, "gamma": gamma, "beta": beta}


def reference(normals, ring_n, directions, gamma, beta):
    # normals: [B, 3, N] -> [B, N, 3]
    normals_p = jnp.transpose(normals, (0, 2, 1))
    # gather 1-ring neighbor normals: out[b,i,k,c] = normals_p[b, ring_n[b,i,k], c]
    gathered = jax.vmap(lambda x, idx: x[idx])(normals_p, ring_n)  # [B, N, 3, 3]
    # append self normal -> [B, N, 4, 3]
    normals_ring = jnp.concatenate([gathered, normals_p[:, :, None, :]], axis=2)
    neighbor_direction_norm = _normalize(normals_ring, axis=-1)
    support_direction_norm = _normalize(directions, axis=0)  # [3, NK]
    feature = neighbor_direction_norm @ support_direction_norm  # [B, N, 4, NK]
    feature = jnp.max(feature, axis=2)  # [B, N, NK]
    feature = jnp.transpose(feature, (0, 2, 1))  # [B, NK, N]
    # BatchNorm1d (training mode: batch stats over (B, N), biased variance)
    mean = jnp.mean(feature, axis=(0, 2), keepdims=True)
    var = jnp.mean((feature - mean) ** 2, axis=(0, 2), keepdims=True)
    xhat = (feature - mean) / jnp.sqrt(var + 1e-5)
    out = xhat * gamma[None, :, None] + beta[None, :, None]
    return jnp.maximum(out, 0.0)

if __name__ == "__main__":
    import jax
    _d = setup_inputs()
    print(jax.jit(kernel)(*tuple(_d.values())))

</pallas_src>

<mosaic_0001>
#map = affine_map<(d0, d1) -> (0, 0)>
#map1 = affine_map<(d0, d1) -> (0, 0, 0, 0)>
module attributes {stable_mosaic.version = 14 : i64} {
  func.func @body(%arg0: i32, %arg1: i32, %arg2: memref<80000x128xf32, #tpu.memory_space<hbm>>, %arg3: memref<32x16x3x160xi32, #tpu.memory_space<hbm>>, %arg4: memref<80000x128xf32, #tpu.memory_space<hbm>>, %arg5: memref<32x128xf32, #tpu.memory_space<hbm>>, %arg6: memref<16x3x160xi32, #tpu.memory_space<vmem>>, %arg7: memref<160x128xf32, #tpu.memory_space<vmem>>, %arg8: memref<160x128xf32, #tpu.memory_space<vmem>>, %arg9: memref<160x128xf32, #tpu.memory_space<vmem>>, %arg10: memref<160x128xf32, #tpu.memory_space<vmem>>, %arg11: memref<160x128xf32, #tpu.memory_space<vmem>>, %arg12: memref<128xf32, #tpu.memory_space<vmem>>, %arg13: memref<!tpu.dma_semaphore, #tpu.memory_space<semaphore_mem>>, %arg14: memref<!tpu.dma_semaphore, #tpu.memory_space<semaphore_mem>>) attributes {dimension_semantics = [#tpu.dimension_semantics<core_parallel>, #tpu.dimension_semantics<subcore_parallel>], iteration_bounds = array<i64: 2, 16>, scalar_prefetch = 0 : i64, scratch_operands = 9 : i64, tpu.core_type = #tpu.core_type<sc_vector_subcore>, window_params = [{transform_indices = #map}, {transform_indices = #map1}, {transform_indices = #map}, {transform_indices = #map}]} {
    %mul3A = arith.constant 2 : i32
    %mul3A_0 = arith.muli %arg1, %mul3A : i32
    %add3A = arith.addi %mul3A_0, %arg0 : i32
    %broadcast_in_dim3A = arith.constant 0.000000e+00 : f32
    %broadcast_in_dim3A_1 = vector.broadcast %broadcast_in_dim3A : f32 to vector<16xf32>
    %sub3A = arith.constant 500 : i32
    %sub3A_2 = arith.subi %sub3A, %add3A : i32
    %add3A_3 = arith.constant 32 : i32
    %add3A_4 = arith.addi %sub3A_2, %add3A_3 : i32
    %sub3A_5 = arith.constant 1 : i32
    %sub3A_6 = arith.subi %add3A_4, %sub3A_5 : i32
    %jit3A = arith.constant 32 : i32
    %div3A = arith.divsi %sub3A_6, %jit3A : i32
    %sign3A = arith.constant 0 : i32
    %sign3A_7 = arith.cmpi sgt, %sub3A_6, %sign3A : i32
    %sign3A_8 = arith.extui %sign3A_7 : i1 to i32
    %sign3A_9 = arith.constant 0 : i32
    %sign3A_10 = arith.cmpi slt, %sub3A_6, %sign3A_9 : i32
    %sign3A_11 = arith.extui %sign3A_10 : i1 to i32
    %sign3A_12 = arith.subi %sign3A_8, %sign3A_11 : i32
    %sign3A_13 = arith.constant 0 : i32
    %sign3A_14 = arith.cmpi sgt, %jit3A, %sign3A_13 : i32
    %sign3A_15 = arith.extui %sign3A_14 : i1 to i32
    %sign3A_16 = arith.constant 0 : i32
    %sign3A_17 = arith.cmpi slt, %jit3A, %sign3A_16 : i32
    %sign3A_18 = arith.extui %sign3A_17 : i1 to i32
    %sign3A_19 = arith.subi %sign3A_15, %sign3A_18 : i32
    %ne3A = arith.cmpi ne, %sign3A_12, %sign3A_19 : i32
    %rem3A = arith.remsi %sub3A_6, %jit3A : i32
    %ne3A_20 = arith.constant 0 : i32
    %ne3A_21 = arith.cmpi ne, %rem3A, %ne3A_20 : i32
    %and3A = arith.andi %ne3A, %ne3A_21 : i1
    %sub3A_22 = arith.constant 1 : i32
    %sub3A_23 = arith.subi %div3A, %sub3A_22 : i32
    %select_n3A = arith.select %and3A, %sub3A_23, %div3A : i32
    "tpu.region"() ({
      %run_scoped3A = tpu.sem_alloc : memref<!tpu.dma_semaphore, #tpu.memory_space<semaphore_mem>>
      %dma_start3A_75 = arith.constant 0 : i32
      %dma_start3A_76 = arith.constant 0 : i32
      %dma_start3A_77 = arith.constant 0 : i32
      %dma_start3A_78 = tpu.memref_slice %arg3[%add3A, %dma_start3A_75, %dma_start3A_76, %dma_start3A_77] : memref<32x16x3x160xi32, #tpu.memory_space<hbm>> -> memref<1x16x3x160xi32, #tpu.memory_space<hbm>>
      %dma_start3A_79 = tpu.memref_squeeze %dma_start3A_78 : memref<1x16x3x160xi32, #tpu.memory_space<hbm>> -> memref<16x3x160xi32, #tpu.memory_space<hbm>>
      %dma_start3A_80 = arith.constant 0 : i32
      %dma_start3A_81 = arith.constant 0 : i32
      %dma_start3A_82 = arith.constant 0 : i32
      %dma_start3A_83 = tpu.memref_slice %arg3[%add3A, %dma_start3A_80, %dma_start3A_81, %dma_start3A_82] : memref<32x16x3x160xi32, #tpu.memory_space<hbm>> -> memref<1x16x3x160xi32, #tpu.memory_space<hbm>>
      %dma_start3A_84 = tpu.memref_squeeze %dma_start3A_83 : memref<1x16x3x160xi32, #tpu.memory_space<hbm>> -> memref<16x3x160xi32, #tpu.memory_space<hbm>>
      tpu.enqueue_dma source(%dma_start3A_84 : memref<16x3x160xi32, #tpu.memory_space<hbm>>) target(%arg6 : memref<16x3x160xi32, #tpu.memory_space<vmem>>) target_semaphore(%run_scoped3A : memref<!tpu.dma_semaphore, #tpu.memory_space<semaphore_mem>>)
      %dma_wait3A_85 = arith.constant 0 : i32
      %dma_wait3A_86 = arith.constant 0 : i32
      %dma_wait3A_87 = arith.constant 0 : i32
      %dma_wait3A_88 = tpu.memref_slice %arg3[%add3A, %dma_wait3A_85, %dma_wait3A_86, %dma_wait3A_87] : memref<32x16x3x160xi32, #tpu.memory_space<hbm>> -> memref<1x16x3x160xi32, #tpu.memory_space<hbm>>
      %dma_wait3A_89 = tpu.memref_squeeze %dma_wait3A_88 : memref<1x16x3x160xi32, #tpu.memory_space<hbm>> -> memref<16x3x160xi32, #tpu.memory_space<hbm>>
      %dma_wait3A_90 = arith.constant 0 : i32
      %dma_wait3A_91 = arith.constant 0 : i32
      %dma_wait3A_92 = arith.constant 0 : i32
      %dma_wait3A_93 = tpu.memref_slice %arg3[%add3A, %dma_wait3A_90, %dma_wait3A_91, %dma_wait3A_92] : memref<32x16x3x160xi32, #tpu.memory_space<hbm>> -> memref<1x16x3x160xi32, #tpu.memory_space<hbm>>
      %dma_wait3A_94 = tpu.memref_squeeze %dma_wait3A_93 : memref<1x16x3x160xi32, #tpu.memory_space<hbm>> -> memref<16x3x160xi32, #tpu.memory_space<hbm>>
      tpu.wait_dma2 semaphore(%run_scoped3A : memref<!tpu.dma_semaphore, #tpu.memory_space<semaphore_mem>>) src(%dma_wait3A_94 : memref<16x3x160xi32, #tpu.memory_space<hbm>>) dst(%arg6 : memref<16x3x160xi32, #tpu.memory_space<vmem>>)
      tpu.yield
    }) : () -> ()
    %mul3A_24 = arith.constant 160 : i32
    %mul3A_25 = arith.muli %add3A, %mul3A_24 : i32
    %dma_start3A = arith.constant 0 : i32
    %dma_start3A_26 = tpu.memref_slice %arg4[%mul3A_25, %dma_start3A] : memref<80000x128xf32, #tpu.memory_space<hbm>> -> memref<160x128xf32, #tpu.memory_space<hbm>>
    %dma_start3A_27 = arith.constant 0 : i32
    %dma_start3A_28 = tpu.memref_slice %arg4[%mul3A_25, %dma_start3A_27] : memref<80000x128xf32, #tpu.memory_space<hbm>> -> memref<160x128xf32, #tpu.memory_space<hbm>>
    tpu.enqueue_dma source(%arg11 : memref<160x128xf32, #tpu.memory_space<vmem>>) target(%dma_start3A_28 : memref<160x128xf32, #tpu.memory_space<hbm>>) target_semaphore(%arg14 : memref<!tpu.dma_semaphore, #tpu.memory_space<semaphore_mem>>)
    %while3A = arith.constant 0 : i32
    %while3A_29 = arith.subi %select_n3A, %while3A : i32
    %while3A_30 = arith.addi %while3A, %while3A_29 : i32
    %while3A_31 = arith.constant 1 : i32
    %while3A_32 = arith.divsi %while3A_29, %while3A_31 : i32
    %while3A_33 = arith.muli %while3A_32, %while3A_31 : i32
    %while3A_34 = arith.addi %while3A, %while3A_33 : i32
    %while3A_35 = arith.constant 1 : i32
    %while3A_36:8 = scf.for %while3A_75 = %while3A to %while3A_34 step %while3A_35 iter_args(%while3A_76 = %broadcast_in_dim3A_1, %while3A_77 = %broadcast_in_dim3A_1, %while3A_78 = %broadcast_in_dim3A_1, %while3A_79 = %broadcast_in_dim3A_1, %while3A_80 = %broadcast_in_dim3A_1, %while3A_81 = %broadcast_in_dim3A_1, %while3A_82 = %broadcast_in_dim3A_1, %while3A_83 = %broadcast_in_dim3A_1) -> (vector<16xf32>, vector<16xf32>, vector<16xf32>, vector<16xf32>, vector<16xf32>, vector<16xf32>, vector<16xf32>, vector<16xf32>)  : i32 {
      %mul3A_84 = arith.constant 32 : i32
      %mul3A_85 = arith.muli %while3A_75, %mul3A_84 : i32
      %add3A_86 = arith.addi %add3A, %mul3A_85 : i32
      %mul3A_87 = arith.constant 160 : i32
      %mul3A_88 = arith.muli %add3A_86, %mul3A_87 : i32
      %dma_start3A_89 = arith.constant 0 : i32
      %dma_start3A_90 = arith.constant 0 : i32
      %dma_start3A_91 = tpu.memref_slice %arg6[%while3A_75, %dma_start3A_89, %dma_start3A_90] : memref<16x3x160xi32, #tpu.memory_space<vmem>> -> memref<1x1x160xi32, #tpu.memory_space<vmem>>
      %dma_start3A_92 = tpu.memref_squeeze %dma_start3A_91 : memref<1x1x160xi32, #tpu.memory_space<vmem>> -> memref<160xi32, #tpu.memory_space<vmem>>
      %dma_start3A_93 = arith.constant 0 : i32
      %dma_start3A_94 = arith.constant 0 : i32
      %dma_start3A_95 = tpu.memref_slice %arg2[%dma_start3A_93, %dma_start3A_94] : memref<80000x128xf32, #tpu.memory_space<hbm>> -> memref<80000x128xf32, #tpu.memory_space<hbm>>
      tpu.enqueue_indirect_dma source(%dma_start3A_95 : memref<80000x128xf32, #tpu.memory_space<hbm>>) target(%arg7 : memref<160x128xf32, #tpu.memory_space<vmem>>) offsets(%dma_start3A_92 : memref<160xi32, #tpu.memory_space<vmem>>) semaphore(%arg13 : memref<!tpu.dma_semaphore, #tpu.memory_space<semaphore_mem>>)
      %dma_start3A_96 = arith.constant 1 : i32
      %dma_start3A_97 = arith.constant 0 : i32
      %dma_start3A_98 = tpu.memref_slice %arg6[%while3A_75, %dma_start3A_96, %dma_start3A_97] : memref<16x3x160xi32, #tpu.memory_space<vmem>> -> memref<1x1x160xi32, #tpu.memory_space<vmem>>
      %dma_start3A_99 = tpu.memref_squeeze %dma_start3A_98 : memref<1x1x160xi32, #tpu.memory_space<vmem>> -> memref<160xi32, #tpu.memory_space<vmem>>
      %dma_start3A_100 = arith.constant 0 : i32
      %dma_start3A_101 = arith.constant 0 : i32
      %dma_start3A_102 = tpu.memref_slice %arg2[%dma_start3A_100, %dma_start3A_101] : memref<80000x128xf32, #tpu.memory_space<hbm>> -> memref<80000x128xf32, #tpu.memory_space<hbm>>
      tpu.enqueue_indirect_dma source(%dma_start3A_102 : memref<80000x128xf32, #tpu.memory_space<hbm>>) target(%arg8 : memref<160x128xf32, #tpu.memory_space<vmem>>) offsets(%dma_start3A_99 : memref<160xi32, #tpu.memory_space<vmem>>) semaphore(%arg13 : memref<!tpu.dma_semaphore, #tpu.memory_space<semaphore_mem>>)
      %dma_start3A_103 = arith.constant 2 : i32
      %dma_start3A_104 = arith.constant 0 : i32
      %dma_start3A_105 = tpu.memref_slice %arg6[%while3A_75, %dma_start3A_103, %dma_start3A_104] : memref<16x3x160xi32, #tpu.memory_space<vmem>> -> memref<1x1x160xi32, #tpu.memory_space<vmem>>
      %dma_start3A_106 = tpu.memref_squeeze %dma_start3A_105 : memref<1x1x160xi32, #tpu.memory_space<vmem>> -> memref<160xi32, #tpu.memory_space<vmem>>
      %dma_start3A_107 = arith.constant 0 : i32
      %dma_start3A_108 = arith.constant 0 : i32
      %dma_start3A_109 = tpu.memref_slice %arg2[%dma_start3A_107, %dma_start3A_108] : memref<80000x128xf32, #tpu.memory_space<hbm>> -> memref<80000x128xf32, #tpu.memory_space<hbm>>
      tpu.enqueue_indirect_dma source(%dma_start3A_109 : memref<80000x128xf32, #tpu.memory_space<hbm>>) target(%arg9 : memref<160x128xf32, #tpu.memory_space<vmem>>) offsets(%dma_start3A_106 : memref<160xi32, #tpu.memory_space<vmem>>) semaphore(%arg13 : memref<!tpu.dma_semaphore, #tpu.memory_space<semaphore_mem>>)
      "tpu.region"() ({
        %run_scoped3A = tpu.sem_alloc : memref<!tpu.dma_semaphore, #tpu.memory_space<semaphore_mem>>
        %dma_start3A_146 = arith.constant 0 : i32
        %dma_start3A_147 = tpu.memref_slice %arg2[%mul3A_88, %dma_start3A_146] : memref<80000x128xf32, #tpu.memory_space<hbm>> -> memref<160x128xf32, #tpu.memory_space<hbm>>
        %dma_start3A_148 = arith.constant 0 : i32
        %dma_start3A_149 = tpu.memref_slice %arg2[%mul3A_88, %dma_start3A_148] : memref<80000x128xf32, #tpu.memory_space<hbm>> -> memref<160x128xf32, #tpu.memory_space<hbm>>
        tpu.enqueue_dma source(%dma_start3A_149 : memref<160x128xf32, #tpu.memory_space<hbm>>) target(%arg10 : memref<160x128xf32, #tpu.memory_space<vmem>>) target_semaphore(%run_scoped3A : memref<!tpu.dma_semaphore, #tpu.memory_space<semaphore_mem>>)
        %dma_wait3A_150 = arith.constant 0 : i32
        %dma_wait3A_151 = tpu.memref_slice %arg2[%mul3A_88, %dma_wait3A_150] : memref<80000x128xf32, #tpu.memory_space<hbm>> -> memref<160x128xf32, #tpu.memory_space<hbm>>
        %dma_wait3A_152 = arith.constant 0 : i32
        %dma_wait3A_153 = tpu.memref_slice %arg2[%mul3A_88, %dma_wait3A_152] : memref<80000x128xf32, #tpu.memory_space<hbm>> -> memref<160x128xf32, #tpu.memory_space<hbm>>
        tpu.wait_dma2 semaphore(%run_scoped3A : memref<!tpu.dma_semaphore, #tpu.memory_space<semaphore_mem>>) src(%dma_wait3A_153 : memref<160x128xf32, #tpu.memory_space<hbm>>) dst(%arg10 : memref<160x128xf32, #tpu.memory_space<vmem>>)
        tpu.yield
      }) : () -> ()
      %mul3A_110 = arith.constant 160 : i32
      %mul3A_111 = arith.muli %add3A, %mul3A_110 : i32
      %dma_wait3A_112 = arith.constant 0 : i32
      %dma_wait3A_113 = tpu.memref_slice %arg4[%mul3A_111, %dma_wait3A_112] : memref<80000x128xf32, #tpu.memory_space<hbm>> -> memref<160x128xf32, #tpu.memory_space<hbm>>
      %dma_wait3A_114 = arith.constant 0 : i32
      %dma_wait3A_115 = tpu.memref_slice %arg4[%mul3A_111, %dma_wait3A_114] : memref<80000x128xf32, #tpu.memory_space<hbm>> -> memref<160x128xf32, #tpu.memory_space<hbm>>
      tpu.wait_dma2 semaphore(%arg14 : memref<!tpu.dma_semaphore, #tpu.memory_space<semaphore_mem>>) src(%arg11 : memref<160x128xf32, #tpu.memory_space<vmem>>) dst(%dma_wait3A_115 : memref<160x128xf32, #tpu.memory_space<hbm>>)
      %dma_wait3A_116 = arith.constant 0 : i32
      %dma_wait3A_117 = arith.constant 0 : i32
      %dma_wait3A_118 = tpu.memref_slice %arg6[%while3A_75, %dma_wait3A_116, %dma_wait3A_117] : memref<16x3x160xi32, #tpu.memory_space<vmem>> -> memref<1x1x160xi32, #tpu.memory_space<vmem>>
      %dma_wait3A_119 = tpu.memref_squeeze %dma_wait3A_118 : memref<1x1x160xi32, #tpu.memory_space<vmem>> -> memref<160xi32, #tpu.memory_space<vmem>>
      %dma_wait3A_120 = arith.constant 0 : i32
      %dma_wait3A_121 = arith.constant 0 : i32
      %dma_wait3A_122 = tpu.memref_slice %arg2[%dma_wait3A_120, %dma_wait3A_121] : memref<80000x128xf32, #tpu.memory_space<hbm>> -> memref<80000x128xf32, #tpu.memory_space<hbm>>
      tpu.wait_indirect_dma semaphore(%arg13 : memref<!tpu.dma_semaphore, #tpu.memory_space<semaphore_mem>>) src(%dma_wait3A_122 : memref<80000x128xf32, #tpu.memory_space<hbm>>) dst(%arg7 : memref<160x128xf32, #tpu.memory_space<vmem>>)
      %dma_wait3A_123 = arith.constant 1 : i32
      %dma_wait3A_124 = arith.constant 0 : i32
      %dma_wait3A_125 = tpu.memref_slice %arg6[%while3A_75, %dma_wait3A_123, %dma_wait3A_124] : memref<16x3x160xi32, #tpu.memory_space<vmem>> -> memref<1x1x160xi32, #tpu.memory_space<vmem>>
      %dma_wait3A_126 = tpu.memref_squeeze %dma_wait3A_125 : memref<1x1x160xi32, #tpu.memory_space<vmem>> -> memref<160xi32, #tpu.memory_space<vmem>>
      %dma_wait3A_127 = arith.constant 0 : i32
      %dma_wait3A_128 = arith.constant 0 : i32
      %dma_wait3A_129 = tpu.memref_slice %arg2[%dma_wait3A_127, %dma_wait3A_128] : memref<80000x128xf32, #tpu.memory_space<hbm>> -> memref<80000x128xf32, #tpu.memory_space<hbm>>
      tpu.wait_indirect_dma semaphore(%arg13 : memref<!tpu.dma_semaphore, #tpu.memory_space<semaphore_mem>>) src(%dma_wait3A_129 : memref<80000x128xf32, #tpu.memory_space<hbm>>) dst(%arg8 : memref<160x128xf32, #tpu.memory_space<vmem>>)
      %dma_wait3A_130 = arith.constant 2 : i32
      %dma_wait3A_131 = arith.constant 0 : i32
      %dma_wait3A_132 = tpu.memref_slice %arg6[%while3A_75, %dma_wait3A_130, %dma_wait3A_131] : memref<16x3x160xi32, #tpu.memory_space<vmem>> -> memref<1x1x160xi32, #tpu.memory_space<vmem>>
      %dma_wait3A_133 = tpu.memref_squeeze %dma_wait3A_132 : memref<1x1x160xi32, #tpu.memory_space<vmem>> -> memref<160xi32, #tpu.memory_space<vmem>>
      %dma_wait3A_134 = arith.constant 0 : i32
      %dma_wait3A_135 = arith.constant 0 : i32
      %dma_wait3A_136 = tpu.memref_slice %arg2[%dma_wait3A_134, %dma_wait3A_135] : memref<80000x128xf32, #tpu.memory_space<hbm>> -> memref<80000x128xf32, #tpu.memory_space<hbm>>
      tpu.wait_indirect_dma semaphore(%arg13 : memref<!tpu.dma_semaphore, #tpu.memory_space<semaphore_mem>>) src(%dma_wait3A_136 : memref<80000x128xf32, #tpu.memory_space<hbm>>) dst(%arg9 : memref<160x128xf32, #tpu.memory_space<vmem>>)
      %scan3A = arith.constant 0 : i32
      %scan3A_137 = arith.constant 160 : i32
      %scan3A_138 = arith.addi %scan3A, %scan3A_137 : i32
      %scan3A_139 = arith.constant 1 : i32
      %scan3A_140:8 = scf.for %scan3A_146 = %scan3A to %scan3A_138 step %scan3A_139 iter_args(%scan3A_147 = %while3A_76, %scan3A_148 = %while3A_77, %scan3A_149 = %while3A_78, %scan3A_150 = %while3A_79, %scan3A_151 = %while3A_80, %scan3A_152 = %while3A_81, %scan3A_153 = %while3A_82, %scan3A_154 = %while3A_83) -> (vector<16xf32>, vector<16xf32>, vector<16xf32>, vector<16xf32>, vector<16xf32>, vector<16xf32>, vector<16xf32>, vector<16xf32>)  : i32 {
        %get3A = arith.index_cast %scan3A_146 : i32 to index
        %get3A_155 = arith.constant 0 : index
        %get3A_156 = tpu.vector_load %arg7[%get3A, %get3A_155] {strides = array<i32>} : memref<160x128xf32, #tpu.memory_space<vmem>>, vector<1x16xf32>,
        %get3A_157 = vector.shape_cast %get3A_156 : vector<1x16xf32> to vector<16xf32>
        %get3A_158 = arith.index_cast %scan3A_146 : i32 to index
        %get3A_159 = arith.constant 0 : index
        %get3A_160 = tpu.vector_load %arg8[%get3A_158, %get3A_159] {strides = array<i32>} : memref<160x128xf32, #tpu.memory_space<vmem>>, vector<1x16xf32>,
        %get3A_161 = vector.shape_cast %get3A_160 : vector<1x16xf32> to vector<16xf32>
        %max3A = arith.maximumf %get3A_157, %get3A_161 : vector<16xf32>
        %get3A_162 = arith.index_cast %scan3A_146 : i32 to index
        %get3A_163 = arith.constant 0 : index
        %get3A_164 = tpu.vector_load %arg9[%get3A_162, %get3A_163] {strides = array<i32>} : memref<160x128xf32, #tpu.memory_space<vmem>>, vector<1x16xf32>,
        %get3A_165 = vector.shape_cast %get3A_164 : vector<1x16xf32> to vector<16xf32>
        %get3A_166 = arith.index_cast %scan3A_146 : i32 to index
        %get3A_167 = arith.constant 0 : index
        %get3A_168 = tpu.vector_load %arg10[%get3A_166, %get3A_167] {strides = array<i32>} : memref<160x128xf32, #tpu.memory_space<vmem>>, vector<1x16xf32>,
        %get3A_169 = vector.shape_cast %get3A_168 : vector<1x16xf32> to vector<16xf32>
        %max3A_170 = arith.maximumf %get3A_165, %get3A_169 : vector<16xf32>
        %max3A_171 = arith.maximumf %max3A, %max3A_170 : vector<16xf32>
        %swap3A_172 = arith.index_cast %scan3A_146 : i32 to index
        %swap3A_173 = arith.constant 0 : index
        %swap3A_174 = tpu.vector_load %arg11[%swap3A_172, %swap3A_173] {strides = array<i32>} : memref<160x128xf32, #tpu.memory_space<vmem>>, vector<1x16xf32>,
        %swap3A_175 = vector.shape_cast %swap3A_174 : vector<1x16xf32> to vector<16xf32>
        %swap3A_176 = vector.shape_cast %max3A_171 : vector<16xf32> to vector<1x16xf32>
        tpu.vector_store %arg11[%swap3A_172, %swap3A_173], %swap3A_176 {strides = array<i32>} : memref<160x128xf32, #tpu.memory_space<vmem>>, vector<1x16xf32>,
        %add3A_177 = arith.addf %scan3A_147, %max3A_171 : vector<16xf32>
        %mul3A_178 = arith.mulf %max3A_171, %max3A_171 : vector<16xf32>
        %add3A_179 = arith.addf %scan3A_148, %mul3A_178 : vector<16xf32>
        %get3A_180 = arith.index_cast %scan3A_146 : i32 to index
        %get3A_181 = arith.constant 16 : index
        %get3A_182 = tpu.vector_load %arg7[%get3A_180, %get3A_181] {strides = array<i32>} : memref<160x128xf32, #tpu.memory_space<vmem>>, vector<1x16xf32>,
        %get3A_183 = vector.shape_cast %get3A_182 : vector<1x16xf32> to vector<16xf32>
        %get3A_184 = arith.index_cast %scan3A_146 : i32 to index
        %get3A_185 = arith.constant 16 : index
        %get3A_186 = tpu.vector_load %arg8[%get3A_184, %get3A_185] {strides = array<i32>} : memref<160x128xf32, #tpu.memory_space<vmem>>, vector<1x16xf32>,
        %get3A_187 = vector.shape_cast %get3A_186 : vector<1x16xf32> to vector<16xf32>
        %max3A_188 = arith.maximumf %get3A_183, %get3A_187 : vector<16xf32>
        %get3A_189 = arith.index_cast %scan3A_146 : i32 to index
        %get3A_190 = arith.constant 16 : index
        %get3A_191 = tpu.vector_load %arg9[%get3A_189, %get3A_190] {strides = array<i32>} : memref<160x128xf32, #tpu.memory_space<vmem>>, vector<1x16xf32>,
        %get3A_192 = vector.shape_cast %get3A_191 : vector<1x16xf32> to vector<16xf32>
        %get3A_193 = arith.index_cast %scan3A_146 : i32 to index
        %get3A_194 = arith.constant 16 : index
        %get3A_195 = tpu.vector_load %arg10[%get3A_193, %get3A_194] {strides = array<i32>} : memref<160x128xf32, #tpu.memory_space<vmem>>, vector<1x16xf32>,
        %get3A_196 = vector.shape_cast %get3A_195 : vector<1x16xf32> to vector<16xf32>
        %max3A_197 = arith.maximumf %get3A_192, %get3A_196 : vector<16xf32>
        %max3A_198 = arith.maximumf %max3A_188, %max3A_197 : vector<16xf32>
        %swap3A_199 = arith.index_cast %scan3A_146 : i32 to index
        %swap3A_200 = arith.constant 16 : index
        %swap3A_201 = tpu.vector_load %arg11[%swap3A_199, %swap3A_200] {strides = array<i32>} : memref<160x128xf32, #tpu.memory_space<vmem>>, vector<1x16xf32>,
        %swap3A_202 = vector.shape_cast %swap3A_201 : vector<1x16xf32> to vector<16xf32>
        %swap3A_203 = vector.shape_cast %max3A_198 : vector<16xf32> to vector<1x16xf32>
        tpu.vector_store %arg11[%swap3A_199, %swap3A_200], %swap3A_203 {strides = array<i32>} : memref<160x128xf32, #tpu.memory_space<vmem>>, vector<1x16xf32>,
        %add3A_204 = arith.addf %scan3A_149, %max3A_198 : vector<16xf32>
        %mul3A_205 = arith.mulf %max3A_198, %max3A_198 : vector<16xf32>
        %add3A_206 = arith.addf %scan3A_150, %mul3A_205 : vector<16xf32>
        %get3A_207 = arith.index_cast %scan3A_146 : i32 to index
        %get3A_208 = arith.constant 32 : index
        %get3A_209 = tpu.vector_load %arg7[%get3A_207, %get3A_208] {strides = array<i32>} : memref<160x128xf32, #tpu.memory_space<vmem>>, vector<1x16xf32>,
        %get3A_210 = vector.shape_cast %get3A_209 : vector<1x16xf32> to vector<16xf32>
        %get3A_211 = arith.index_cast %scan3A_146 : i32 to index
        %get3A_212 = arith.constant 32 : index
        %get3A_213 = tpu.vector_load %arg8[%get3A_211, %get3A_212] {strides = array<i32>} : memref<160x128xf32, #tpu.memory_space<vmem>>, vector<1x16xf32>,
        %get3A_214 = vector.shape_cast %get3A_213 : vector<1x16xf32> to vector<16xf32>
        %max3A_215 = arith.maximumf %get3A_210, %get3A_214 : vector<16xf32>
        %get3A_216 = arith.index_cast %scan3A_146 : i32 to index
        %get3A_217 = arith.constant 32 : index
        %get3A_218 = tpu.vector_load %arg9[%get3A_216, %get3A_217] {strides = array<i32>} : memref<160x128xf32, #tpu.memory_space<vmem>>, vector<1x16xf32>,
        %get3A_219 = vector.shape_cast %get3A_218 : vector<1x16xf32> to vector<16xf32>
        %get3A_220 = arith.index_cast %scan3A_146 : i32 to index
        %get3A_221 = arith.constant 32 : index
        %get3A_222 = tpu.vector_load %arg10[%get3A_220, %get3A_221] {strides = array<i32>} : memref<160x128xf32, #tpu.memory_space<vmem>>, vector<1x16xf32>,
        %get3A_223 = vector.shape_cast %get3A_222 : vector<1x16xf32> to vector<16xf32>
        %max3A_224 = arith.maximumf %get3A_219, %get3A_223 : vector<16xf32>
        %max3A_225 = arith.maximumf %max3A_215, %max3A_224 : vector<16xf32>
        %swap3A_226 = arith.index_cast %scan3A_146 : i32 to index
        %swap3A_227 = arith.constant 32 : index
        %swap3A_228 = tpu.vector_load %arg11[%swap3A_226, %swap3A_227] {strides = array<i32>} : memref<160x128xf32, #tpu.memory_space<vmem>>, vector<1x16xf32>,
        %swap3A_229 = vector.shape_cast %swap3A_228 : vector<1x16xf32> to vector<16xf32>
        %swap3A_230 = vector.shape_cast %max3A_225 : vector<16xf32> to vector<1x16xf32>
        tpu.vector_store %arg11[%swap3A_226, %swap3A_227], %swap3A_230 {strides = array<i32>} : memref<160x128xf32, #tpu.memory_space<vmem>>, vector<1x16xf32>,
        %add3A_231 = arith.addf %scan3A_151, %max3A_225 : vector<16xf32>
        %mul3A_232 = arith.mulf %max3A_225, %max3A_225 : vector<16xf32>
        %add3A_233 = arith.addf %scan3A_152, %mul3A_232 : vector<16xf32>
        %get3A_234 = arith.index_cast %scan3A_146 : i32 to index
        %get3A_235 = arith.constant 48 : index
        %get3A_236 = tpu.vector_load %arg7[%get3A_234, %get3A_235] {strides = array<i32>} : memref<160x128xf32, #tpu.memory_space<vmem>>, vector<1x16xf32>,
        %get3A_237 = vector.shape_cast %get3A_236 : vector<1x16xf32> to vector<16xf32>
        %get3A_238 = arith.index_cast %scan3A_146 : i32 to index
        %get3A_239 = arith.constant 48 : index
        %get3A_240 = tpu.vector_load %arg8[%get3A_238, %get3A_239] {strides = array<i32>} : memref<160x128xf32, #tpu.memory_space<vmem>>, vector<1x16xf32>,
        %get3A_241 = vector.shape_cast %get3A_240 : vector<1x16xf32> to vector<16xf32>
        %max3A_242 = arith.maximumf %get3A_237, %get3A_241 : vector<16xf32>
        %get3A_243 = arith.index_cast %scan3A_146 : i32 to index
        %get3A_244 = arith.constant 48 : index
        %get3A_245 = tpu.vector_load %arg9[%get3A_243, %get3A_244] {strides = array<i32>} : memref<160x128xf32, #tpu.memory_space<vmem>>, vector<1x16xf32>,
        %get3A_246 = vector.shape_cast %get3A_245 : vector<1x16xf32> to vector<16xf32>
        %get3A_247 = arith.index_cast %scan3A_146 : i32 to index
        %get3A_248 = arith.constant 48 : index
        %get3A_249 = tpu.vector_load %arg10[%get3A_247, %get3A_248] {strides = array<i32>} : memref<160x128xf32, #tpu.memory_space<vmem>>, vector<1x16xf32>,
        %get3A_250 = vector.shape_cast %get3A_249 : vector<1x16xf32> to vector<16xf32>
        %max3A_251 = arith.maximumf %get3A_246, %get3A_250 : vector<16xf32>
        %max3A_252 = arith.maximumf %max3A_242, %max3A_251 : vector<16xf32>
        %swap3A_253 = arith.index_cast %scan3A_146 : i32 to index
        %swap3A_254 = arith.constant 48 : index
        %swap3A_255 = tpu.vector_load %arg11[%swap3A_253, %swap3A_254] {strides = array<i32>} : memref<160x128xf32, #tpu.memory_space<vmem>>, vector<1x16xf32>,
        %swap3A_256 = vector.shape_cast %swap3A_255 : vector<1x16xf32> to vector<16xf32>
        %swap3A_257 = vector.shape_cast %max3A_252 : vector<16xf32> to vector<1x16xf32>
        tpu.vector_store %arg11[%swap3A_253, %swap3A_254], %swap3A_257 {strides = array<i32>} : memref<160x128xf32, #tpu.memory_space<vmem>>, vector<1x16xf32>,
        %add3A_258 = arith.addf %scan3A_153, %max3A_252 : vector<16xf32>
        %mul3A_259 = arith.mulf %max3A_252, %max3A_252 : vector<16xf32>
        %add3A_260 = arith.addf %scan3A_154, %mul3A_259 : vector<16xf32>
        scf.yield %add3A_177, %add3A_179, %add3A_204, %add3A_206, %add3A_231, %add3A_233, %add3A_258, %add3A_260 : vector<16xf32>, vector<16xf32>, vector<16xf32>, vector<16xf32>, vector<16xf32>, vector<16xf32>, vector<16xf32>, vector<16xf32>
      }
      %scan3A_141 = arith.constant 160 : i32
      %dma_start3A_142 = arith.constant 0 : i32
      %dma_start3A_143 = tpu.memref_slice %arg4[%mul3A_88, %dma_start3A_142] : memref<80000x128xf32, #tpu.memory_space<hbm>> -> memref<160x128xf32, #tpu.memory_space<hbm>>
      %dma_start3A_144 = arith.constant 0 : i32
      %dma_start3A_145 = tpu.memref_slice %arg4[%mul3A_88, %dma_start3A_144] : memref<80000x128xf32, #tpu.memory_space<hbm>> -> memref<160x128xf32, #tpu.memory_space<hbm>>
      tpu.enqueue_dma source(%arg11 : memref<160x128xf32, #tpu.memory_space<vmem>>) target(%dma_start3A_145 : memref<160x128xf32, #tpu.memory_space<hbm>>) target_semaphore(%arg14 : memref<!tpu.dma_semaphore, #tpu.memory_space<semaphore_mem>>)
      scf.yield %scan3A_140#0, %scan3A_140#1, %scan3A_140#2, %scan3A_140#3, %scan3A_140#4, %scan3A_140#5, %scan3A_140#6, %scan3A_140#7 : vector<16xf32>, vector<16xf32>, vector<16xf32>, vector<16xf32>, vector<16xf32>, vector<16xf32>, vector<16xf32>, vector<16xf32>
    }
    %while3A_37 = arith.constant 1 : i32
    %while3A_38:8 = scf.for %while3A_75 = %while3A_34 to %while3A_30 step %while3A_37 iter_args(%while3A_76 = %while3A_36#0, %while3A_77 = %while3A_36#1, %while3A_78 = %while3A_36#2, %while3A_79 = %while3A_36#3, %while3A_80 = %while3A_36#4, %while3A_81 = %while3A_36#5, %while3A_82 = %while3A_36#6, %while3A_83 = %while3A_36#7) -> (vector<16xf32>, vector<16xf32>, vector<16xf32>, vector<16xf32>, vector<16xf32>, vector<16xf32>, vector<16xf32>, vector<16xf32>)  : i32 {
      %mul3A_84 = arith.constant 32 : i32
      %mul3A_85 = arith.muli %while3A_75, %mul3A_84 : i32
      %add3A_86 = arith.addi %add3A, %mul3A_85 : i32
      %mul3A_87 = arith.constant 160 : i32
      %mul3A_88 = arith.muli %add3A_86, %mul3A_87 : i32
      %dma_start3A_89 = arith.constant 0 : i32
      %dma_start3A_90 = arith.constant 0 : i32
      %dma_start3A_91 = tpu.memref_slice %arg6[%while3A_75, %dma_start3A_89, %dma_start3A_90] : memref<16x3x160xi32, #tpu.memory_space<vmem>> -> memref<1x1x160xi32, #tpu.memory_space<vmem>>
      %dma_start3A_92 = tpu.memref_squeeze %dma_start3A_91 : memref<1x1x160xi32, #tpu.memory_space<vmem>> -> memref<160xi32, #tpu.memory_space<vmem>>
      %dma_start3A_93 = arith.constant 0 : i32
      %dma_start3A_94 = arith.constant 0 : i32
      %dma_start3A_95 = tpu.memref_slice %arg2[%dma_start3A_93, %dma_start3A_94] : memref<80000x128xf32, #tpu.memory_space<hbm>> -> memref<80000x128xf32, #tpu.memory_space<hbm>>
      tpu.enqueue_indirect_dma source(%dma_start3A_95 : memref<80000x128xf32, #tpu.memory_space<hbm>>) target(%arg7 : memref<160x128xf32, #tpu.memory_space<vmem>>) offsets(%dma_start3A_92 : memref<160xi32, #tpu.memory_space<vmem>>) semaphore(%arg13 : memref<!tpu.dma_semaphore, #tpu.memory_space<semaphore_mem>>)
      %dma_start3A_96 = arith.constant 1 : i32
      %dma_start3A_97 = arith.constant 0 : i32
      %dma_start3A_98 = tpu.memref_slice %arg6[%while3A_75, %dma_start3A_96, %dma_start3A_97] : memref<16x3x160xi32, #tpu.memory_space<vmem>> -> memref<1x1x160xi32, #tpu.memory_space<vmem>>
      %dma_start3A_99 = tpu.memref_squeeze %dma_start3A_98 : memref<1x1x160xi32, #tpu.memory_space<vmem>> -> memref<160xi32, #tpu.memory_space<vmem>>
      %dma_start3A_100 = arith.constant 0 : i32
      %dma_start3A_101 = arith.constant 0 : i32
      %dma_start3A_102 = tpu.memref_slice %arg2[%dma_start3A_100, %dma_start3A_101] : memref<80000x128xf32, #tpu.memory_space<hbm>> -> memref<80000x128xf32, #tpu.memory_space<hbm>>
      tpu.enqueue_indirect_dma source(%dma_start3A_102 : memref<80000x128xf32, #tpu.memory_space<hbm>>) target(%arg8 : memref<160x128xf32, #tpu.memory_space<vmem>>) offsets(%dma_start3A_99 : memref<160xi32, #tpu.memory_space<vmem>>) semaphore(%arg13 : memref<!tpu.dma_semaphore, #tpu.memory_space<semaphore_mem>>)
      %dma_start3A_103 = arith.constant 2 : i32
      %dma_start3A_104 = arith.constant 0 : i32
      %dma_start3A_105 = tpu.memref_slice %arg6[%while3A_75, %dma_start3A_103, %dma_start3A_104] : memref<16x3x160xi32, #tpu.memory_space<vmem>> -> memref<1x1x160xi32, #tpu.memory_space<vmem>>
      %dma_start3A_106 = tpu.memref_squeeze %dma_start3A_105 : memref<1x1x160xi32, #tpu.memory_space<vmem>> -> memref<160xi32, #tpu.memory_space<vmem>>
      %dma_start3A_107 = arith.constant 0 : i32
      %dma_start3A_108 = arith.constant 0 : i32
      %dma_start3A_109 = tpu.memref_slice %arg2[%dma_start3A_107, %dma_start3A_108] : memref<80000x128xf32, #tpu.memory_space<hbm>> -> memref<80000x128xf32, #tpu.memory_space<hbm>>
      tpu.enqueue_indirect_dma source(%dma_start3A_109 : memref<80000x128xf32, #tpu.memory_space<hbm>>) target(%arg9 : memref<160x128xf32, #tpu.memory_space<vmem>>) offsets(%dma_start3A_106 : memref<160xi32, #tpu.memory_space<vmem>>) semaphore(%arg13 : memref<!tpu.dma_semaphore, #tpu.memory_space<semaphore_mem>>)
      "tpu.region"() ({
        %run_scoped3A = tpu.sem_alloc : memref<!tpu.dma_semaphore, #tpu.memory_space<semaphore_mem>>
        %dma_start3A_146 = arith.constant 0 : i32
        %dma_start3A_147 = tpu.memref_slice %arg2[%mul3A_88, %dma_start3A_146] : memref<80000x128xf32, #tpu.memory_space<hbm>> -> memref<160x128xf32, #tpu.memory_space<hbm>>
        %dma_start3A_148 = arith.constant 0 : i32
        %dma_start3A_149 = tpu.memref_slice %arg2[%mul3A_88, %dma_start3A_148] : memref<80000x128xf32, #tpu.memory_space<hbm>> -> memref<160x128xf32, #tpu.memory_space<hbm>>
        tpu.enqueue_dma source(%dma_start3A_149 : memref<160x128xf32, #tpu.memory_space<hbm>>) target(%arg10 : memref<160x128xf32, #tpu.memory_space<vmem>>) target_semaphore(%run_scoped3A : memref<!tpu.dma_semaphore, #tpu.memory_space<semaphore_mem>>)
        %dma_wait3A_150 = arith.constant 0 : i32
        %dma_wait3A_151 = tpu.memref_slice %arg2[%mul3A_88, %dma_wait3A_150] : memref<80000x128xf32, #tpu.memory_space<hbm>> -> memref<160x128xf32, #tpu.memory_space<hbm>>
        %dma_wait3A_152 = arith.constant 0 : i32
        %dma_wait3A_153 = tpu.memref_slice %arg2[%mul3A_88, %dma_wait3A_152] : memref<80000x128xf32, #tpu.memory_space<hbm>> -> memref<160x128xf32, #tpu.memory_space<hbm>>
        tpu.wait_dma2 semaphore(%run_scoped3A : memref<!tpu.dma_semaphore, #tpu.memory_space<semaphore_mem>>) src(%dma_wait3A_153 : memref<160x128xf32, #tpu.memory_space<hbm>>) dst(%arg10 : memref<160x128xf32, #tpu.memory_space<vmem>>)
        tpu.yield
      }) : () -> ()
      %mul3A_110 = arith.constant 160 : i32
      %mul3A_111 = arith.muli %add3A, %mul3A_110 : i32
      %dma_wait3A_112 = arith.constant 0 : i32
      %dma_wait3A_113 = tpu.memref_slice %arg4[%mul3A_111, %dma_wait3A_112] : memref<80000x128xf32, #tpu.memory_space<hbm>> -> memref<160x128xf32, #tpu.memory_space<hbm>>
      %dma_wait3A_114 = arith.constant 0 : i32
      %dma_wait3A_115 = tpu.memref_slice %arg4[%mul3A_111, %dma_wait3A_114] : memref<80000x128xf32, #tpu.memory_space<hbm>> -> memref<160x128xf32, #tpu.memory_space<hbm>>
      tpu.wait_dma2 semaphore(%arg14 : memref<!tpu.dma_semaphore, #tpu.memory_space<semaphore_mem>>) src(%arg11 : memref<160x128xf32, #tpu.memory_space<vmem>>) dst(%dma_wait3A_115 : memref<160x128xf32, #tpu.memory_space<hbm>>)
      %dma_wait3A_116 = arith.constant 0 : i32
      %dma_wait3A_117 = arith.constant 0 : i32
      %dma_wait3A_118 = tpu.memref_slice %arg6[%while3A_75, %dma_wait3A_116, %dma_wait3A_117] : memref<16x3x160xi32, #tpu.memory_space<vmem>> -> memref<1x1x160xi32, #tpu.memory_space<vmem>>
      %dma_wait3A_119 = tpu.memref_squeeze %dma_wait3A_118 : memref<1x1x160xi32, #tpu.memory_space<vmem>> -> memref<160xi32, #tpu.memory_space<vmem>>
      %dma_wait3A_120 = arith.constant 0 : i32
      %dma_wait3A_121 = arith.constant 0 : i32
      %dma_wait3A_122 = tpu.memref_slice %arg2[%dma_wait3A_120, %dma_wait3A_121] : memref<80000x128xf32, #tpu.memory_space<hbm>> -> memref<80000x128xf32, #tpu.memory_space<hbm>>
      tpu.wait_indirect_dma semaphore(%arg13 : memref<!tpu.dma_semaphore, #tpu.memory_space<semaphore_mem>>) src(%dma_wait3A_122 : memref<80000x128xf32, #tpu.memory_space<hbm>>) dst(%arg7 : memref<160x128xf32, #tpu.memory_space<vmem>>)
      %dma_wait3A_123 = arith.constant 1 : i32
      %dma_wait3A_124 = arith.constant 0 : i32
      %dma_wait3A_125 = tpu.memref_slice %arg6[%while3A_75, %dma_wait3A_123, %dma_wait3A_124] : memref<16x3x160xi32, #tpu.memory_space<vmem>> -> memref<1x1x160xi32, #tpu.memory_space<vmem>>
      %dma_wait3A_126 = tpu.memref_squeeze %dma_wait3A_125 : memref<1x1x160xi32, #tpu.memory_space<vmem>> -> memref<160xi32, #tpu.memory_space<vmem>>
      %dma_wait3A_127 = arith.constant 0 : i32
      %dma_wait3A_128 = arith.constant 0 : i32
      %dma_wait3A_129 = tpu.memref_slice %arg2[%dma_wait3A_127, %dma_wait3A_128] : memref<80000x128xf32, #tpu.memory_space<hbm>> -> memref<80000x128xf32, #tpu.memory_space<hbm>>
      tpu.wait_indirect_dma semaphore(%arg13 : memref<!tpu.dma_semaphore, #tpu.memory_space<semaphore_mem>>) src(%dma_wait3A_129 : memref<80000x128xf32, #tpu.memory_space<hbm>>) dst(%arg8 : memref<160x128xf32, #tpu.memory_space<vmem>>)
      %dma_wait3A_130 = arith.constant 2 : i32
      %dma_wait3A_131 = arith.constant 0 : i32
      %dma_wait3A_132 = tpu.memref_slice %arg6[%while3A_75, %dma_wait3A_130, %dma_wait3A_131] : memref<16x3x160xi32, #tpu.memory_space<vmem>> -> memref<1x1x160xi32, #tpu.memory_space<vmem>>
      %dma_wait3A_133 = tpu.memref_squeeze %dma_wait3A_132 : memref<1x1x160xi32, #tpu.memory_space<vmem>> -> memref<160xi32, #tpu.memory_space<vmem>>
      %dma_wait3A_134 = arith.constant 0 : i32
      %dma_wait3A_135 = arith.constant 0 : i32
      %dma_wait3A_136 = tpu.memref_slice %arg2[%dma_wait3A_134, %dma_wait3A_135] : memref<80000x128xf32, #tpu.memory_space<hbm>> -> memref<80000x128xf32, #tpu.memory_space<hbm>>
      tpu.wait_indirect_dma semaphore(%arg13 : memref<!tpu.dma_semaphore, #tpu.memory_space<semaphore_mem>>) src(%dma_wait3A_136 : memref<80000x128xf32, #tpu.memory_space<hbm>>) dst(%arg9 : memref<160x128xf32, #tpu.memory_space<vmem>>)
      %scan3A = arith.constant 0 : i32
      %scan3A_137 = arith.constant 160 : i32
      %scan3A_138 = arith.addi %scan3A, %scan3A_137 : i32
      %scan3A_139 = arith.constant 1 : i32
      %scan3A_140:8 = scf.for %scan3A_146 = %scan3A to %scan3A_138 step %scan3A_139 iter_args(%scan3A_147 = %while3A_76, %scan3A_148 = %while3A_77, %scan3A_149 = %while3A_78, %scan3A_150 = %while3A_79, %scan3A_151 = %while3A_80, %scan3A_152 = %while3A_81, %scan3A_153 = %while3A_82, %scan3A_154 = %while3A_83) -> (vector<16xf32>, vector<16xf32>, vector<16xf32>, vector<16xf32>, vector<16xf32>, vector<16xf32>, vector<16xf32>, vector<16xf32>)  : i32 {
        %get3A = arith.index_cast %scan3A_146 : i32 to index
        %get3A_155 = arith.constant 0 : index
        %get3A_156 = tpu.vector_load %arg7[%get3A, %get3A_155] {strides = array<i32>} : memref<160x128xf32, #tpu.memory_space<vmem>>, vector<1x16xf32>,
        %get3A_157 = vector.shape_cast %get3A_156 : vector<1x16xf32> to vector<16xf32>
        %get3A_158 = arith.index_cast %scan3A_146 : i32 to index
        %get3A_159 = arith.constant 0 : index
        %get3A_160 = tpu.vector_load %arg8[%get3A_158, %get3A_159] {strides = array<i32>} : memref<160x128xf32, #tpu.memory_space<vmem>>, vector<1x16xf32>,
        %get3A_161 = vector.shape_cast %get3A_160 : vector<1x16xf32> to vector<16xf32>
        %max3A = arith.maximumf %get3A_157, %get3A_161 : vector<16xf32>
        %get3A_162 = arith.index_cast %scan3A_146 : i32 to index
        %get3A_163 = arith.constant 0 : index
        %get3A_164 = tpu.vector_load %arg9[%get3A_162, %get3A_163] {strides = array<i32>} : memref<160x128xf32, #tpu.memory_space<vmem>>, vector<1x16xf32>,
        %get3A_165 = vector.shape_cast %get3A_164 : vector<1x16xf32> to vector<16xf32>
        %get3A_166 = arith.index_cast %scan3A_146 : i32 to index
        %get3A_167 = arith.constant 0 : index
        %get3A_168 = tpu.vector_load %arg10[%get3A_166, %get3A_167] {strides = array<i32>} : memref<160x128xf32, #tpu.memory_space<vmem>>, vector<1x16xf32>,
        %get3A_169 = vector.shape_cast %get3A_168 : vector<1x16xf32> to vector<16xf32>
        %max3A_170 = arith.maximumf %get3A_165, %get3A_169 : vector<16xf32>
        %max3A_171 = arith.maximumf %max3A, %max3A_170 : vector<16xf32>
        %swap3A_172 = arith.index_cast %scan3A_146 : i32 to index
        %swap3A_173 = arith.constant 0 : index
        %swap3A_174 = tpu.vector_load %arg11[%swap3A_172, %swap3A_173] {strides = array<i32>} : memref<160x128xf32, #tpu.memory_space<vmem>>, vector<1x16xf32>,
        %swap3A_175 = vector.shape_cast %swap3A_174 : vector<1x16xf32> to vector<16xf32>
        %swap3A_176 = vector.shape_cast %max3A_171 : vector<16xf32> to vector<1x16xf32>
        tpu.vector_store %arg11[%swap3A_172, %swap3A_173], %swap3A_176 {strides = array<i32>} : memref<160x128xf32, #tpu.memory_space<vmem>>, vector<1x16xf32>,
        %add3A_177 = arith.addf %scan3A_147, %max3A_171 : vector<16xf32>
        %mul3A_178 = arith.mulf %max3A_171, %max3A_171 : vector<16xf32>
        %add3A_179 = arith.addf %scan3A_148, %mul3A_178 : vector<16xf32>
        %get3A_180 = arith.index_cast %scan3A_146 : i32 to index
        %get3A_181 = arith.constant 16 : index
        %get3A_182 = tpu.vector_load %arg7[%get3A_180, %get3A_181] {strides = array<i32>} : memref<160x128xf32, #tpu.memory_space<vmem>>, vector<1x16xf32>,
        %get3A_183 = vector.shape_cast %get3A_182 : vector<1x16xf32> to vector<16xf32>
        %get3A_184 = arith.index_cast %scan3A_146 : i32 to index
        %get3A_185 = arith.constant 16 : index
        %get3A_186 = tpu.vector_load %arg8[%get3A_184, %get3A_185] {strides = array<i32>} : memref<160x128xf32, #tpu.memory_space<vmem>>, vector<1x16xf32>,
        %get3A_187 = vector.shape_cast %get3A_186 : vector<1x16xf32> to vector<16xf32>
        %max3A_188 = arith.maximumf %get3A_183, %get3A_187 : vector<16xf32>
        %get3A_189 = arith.index_cast %scan3A_146 : i32 to index
        %get3A_190 = arith.constant 16 : index
        %get3A_191 = tpu.vector_load %arg9[%get3A_189, %get3A_190] {strides = array<i32>} : memref<160x128xf32, #tpu.memory_space<vmem>>, vector<1x16xf32>,
        %get3A_192 = vector.shape_cast %get3A_191 : vector<1x16xf32> to vector<16xf32>
        %get3A_193 = arith.index_cast %scan3A_146 : i32 to index
        %get3A_194 = arith.constant 16 : index
        %get3A_195 = tpu.vector_load %arg10[%get3A_193, %get3A_194] {strides = array<i32>} : memref<160x128xf32, #tpu.memory_space<vmem>>, vector<1x16xf32>,
        %get3A_196 = vector.shape_cast %get3A_195 : vector<1x16xf32> to vector<16xf32>
        %max3A_197 = arith.maximumf %get3A_192, %get3A_196 : vector<16xf32>
        %max3A_198 = arith.maximumf %max3A_188, %max3A_197 : vector<16xf32>
        %swap3A_199 = arith.index_cast %scan3A_146 : i32 to index
        %swap3A_200 = arith.constant 16 : index
        %swap3A_201 = tpu.vector_load %arg11[%swap3A_199, %swap3A_200] {strides = array<i32>} : memref<160x128xf32, #tpu.memory_space<vmem>>, vector<1x16xf32>,
        %swap3A_202 = vector.shape_cast %swap3A_201 : vector<1x16xf32> to vector<16xf32>
        %swap3A_203 = vector.shape_cast %max3A_198 : vector<16xf32> to vector<1x16xf32>
        tpu.vector_store %arg11[%swap3A_199, %swap3A_200], %swap3A_203 {strides = array<i32>} : memref<160x128xf32, #tpu.memory_space<vmem>>, vector<1x16xf32>,
        %add3A_204 = arith.addf %scan3A_149, %max3A_198 : vector<16xf32>
        %mul3A_205 = arith.mulf %max3A_198, %max3A_198 : vector<16xf32>
        %add3A_206 = arith.addf %scan3A_150, %mul3A_205 : vector<16xf32>
        %get3A_207 = arith.index_cast %scan3A_146 : i32 to index
        %get3A_208 = arith.constant 32 : index
        %get3A_209 = tpu.vector_load %arg7[%get3A_207, %get3A_208] {strides = array<i32>} : memref<160x128xf32, #tpu.memory_space<vmem>>, vector<1x16xf32>,
        %get3A_210 = vector.shape_cast %get3A_209 : vector<1x16xf32> to vector<16xf32>
        %get3A_211 = arith.index_cast %scan3A_146 : i32 to index
        %get3A_212 = arith.constant 32 : index
        %get3A_213 = tpu.vector_load %arg8[%get3A_211, %get3A_212] {strides = array<i32>} : memref<160x128xf32, #tpu.memory_space<vmem>>, vector<1x16xf32>,
        %get3A_214 = vector.shape_cast %get3A_213 : vector<1x16xf32> to vector<16xf32>
        %max3A_215 = arith.maximumf %get3A_210, %get3A_214 : vector<16xf32>
        %get3A_216 = arith.index_cast %scan3A_146 : i32 to index
        %get3A_217 = arith.constant 32 : index
        %get3A_218 = tpu.vector_load %arg9[%get3A_216, %get3A_217] {strides = array<i32>} : memref<160x128xf32, #tpu.memory_space<vmem>>, vector<1x16xf32>,
        %get3A_219 = vector.shape_cast %get3A_218 : vector<1x16xf32> to vector<16xf32>
        %get3A_220 = arith.index_cast %scan3A_146 : i32 to index
        %get3A_221 = arith.constant 32 : index
        %get3A_222 = tpu.vector_load %arg10[%get3A_220, %get3A_221] {strides = array<i32>} : memref<160x128xf32, #tpu.memory_space<vmem>>, vector<1x16xf32>,
        %get3A_223 = vector.shape_cast %get3A_222 : vector<1x16xf32> to vector<16xf32>
        %max3A_224 = arith.maximumf %get3A_219, %get3A_223 : vector<16xf32>
        %max3A_225 = arith.maximumf %max3A_215, %max3A_224 : vector<16xf32>
        %swap3A_226 = arith.index_cast %scan3A_146 : i32 to index
        %swap3A_227 = arith.constant 32 : index
        %swap3A_228 = tpu.vector_load %arg11[%swap3A_226, %swap3A_227] {strides = array<i32>} : memref<160x128xf32, #tpu.memory_space<vmem>>, vector<1x16xf32>,
        %swap3A_229 = vector.shape_cast %swap3A_228 : vector<1x16xf32> to vector<16xf32>
        %swap3A_230 = vector.shape_cast %max3A_225 : vector<16xf32> to vector<1x16xf32>
        tpu.vector_store %arg11[%swap3A_226, %swap3A_227], %swap3A_230 {strides = array<i32>} : memref<160x128xf32, #tpu.memory_space<vmem>>, vector<1x16xf32>,
        %add3A_231 = arith.addf %scan3A_151, %max3A_225 : vector<16xf32>
        %mul3A_232 = arith.mulf %max3A_225, %max3A_225 : vector<16xf32>
        %add3A_233 = arith.addf %scan3A_152, %mul3A_232 : vector<16xf32>
        %get3A_234 = arith.index_cast %scan3A_146 : i32 to index
        %get3A_235 = arith.constant 48 : index
        %get3A_236 = tpu.vector_load %arg7[%get3A_234, %get3A_235] {strides = array<i32>} : memref<160x128xf32, #tpu.memory_space<vmem>>, vector<1x16xf32>,
        %get3A_237 = vector.shape_cast %get3A_236 : vector<1x16xf32> to vector<16xf32>
        %get3A_238 = arith.index_cast %scan3A_146 : i32 to index
        %get3A_239 = arith.constant 48 : index
        %get3A_240 = tpu.vector_load %arg8[%get3A_238, %get3A_239] {strides = array<i32>} : memref<160x128xf32, #tpu.memory_space<vmem>>, vector<1x16xf32>,
        %get3A_241 = vector.shape_cast %get3A_240 : vector<1x16xf32> to vector<16xf32>
        %max3A_242 = arith.maximumf %get3A_237, %get3A_241 : vector<16xf32>
        %get3A_243 = arith.index_cast %scan3A_146 : i32 to index
        %get3A_244 = arith.constant 48 : index
        %get3A_245 = tpu.vector_load %arg9[%get3A_243, %get3A_244] {strides = array<i32>} : memref<160x128xf32, #tpu.memory_space<vmem>>, vector<1x16xf32>,
        %get3A_246 = vector.shape_cast %get3A_245 : vector<1x16xf32> to vector<16xf32>
        %get3A_247 = arith.index_cast %scan3A_146 : i32 to index
        %get3A_248 = arith.constant 48 : index
        %get3A_249 = tpu.vector_load %arg10[%get3A_247, %get3A_248] {strides = array<i32>} : memref<160x128xf32, #tpu.memory_space<vmem>>, vector<1x16xf32>,
        %get3A_250 = vector.shape_cast %get3A_249 : vector<1x16xf32> to vector<16xf32>
        %max3A_251 = arith.maximumf %get3A_246, %get3A_250 : vector<16xf32>
        %max3A_252 = arith.maximumf %max3A_242, %max3A_251 : vector<16xf32>
        %swap3A_253 = arith.index_cast %scan3A_146 : i32 to index
        %swap3A_254 = arith.constant 48 : index
        %swap3A_255 = tpu.vector_load %arg11[%swap3A_253, %swap3A_254] {strides = array<i32>} : memref<160x128xf32, #tpu.memory_space<vmem>>, vector<1x16xf32>,
        %swap3A_256 = vector.shape_cast %swap3A_255 : vector<1x16xf32> to vector<16xf32>
        %swap3A_257 = vector.shape_cast %max3A_252 : vector<16xf32> to vector<1x16xf32>
        tpu.vector_store %arg11[%swap3A_253, %swap3A_254], %swap3A_257 {strides = array<i32>} : memref<160x128xf32, #tpu.memory_space<vmem>>, vector<1x16xf32>,
        %add3A_258 = arith.addf %scan3A_153, %max3A_252 : vector<16xf32>
        %mul3A_259 = arith.mulf %max3A_252, %max3A_252 : vector<16xf32>
        %add3A_260 = arith.addf %scan3A_154, %mul3A_259 : vector<16xf32>
        scf.yield %add3A_177, %add3A_179, %add3A_204, %add3A_206, %add3A_231, %add3A_233, %add3A_258, %add3A_260 : vector<16xf32>, vector<16xf32>, vector<16xf32>, vector<16xf32>, vector<16xf32>, vector<16xf32>, vector<16xf32>, vector<16xf32>
      }
      %scan3A_141 = arith.constant 160 : i32
      %dma_start3A_142 = arith.constant 0 : i32
      %dma_start3A_143 = tpu.memref_slice %arg4[%mul3A_88, %dma_start3A_142] : memref<80000x128xf32, #tpu.memory_space<hbm>> -> memref<160x128xf32, #tpu.memory_space<hbm>>
      %dma_start3A_144 = arith.constant 0 : i32
      %dma_start3A_145 = tpu.memref_slice %arg4[%mul3A_88, %dma_start3A_144] : memref<80000x128xf32, #tpu.memory_space<hbm>> -> memref<160x128xf32, #tpu.memory_space<hbm>>
      tpu.enqueue_dma source(%arg11 : memref<160x128xf32, #tpu.memory_space<vmem>>) target(%dma_start3A_145 : memref<160x128xf32, #tpu.memory_space<hbm>>) target_semaphore(%arg14 : memref<!tpu.dma_semaphore, #tpu.memory_space<semaphore_mem>>)
      scf.yield %scan3A_140#0, %scan3A_140#1, %scan3A_140#2, %scan3A_140#3, %scan3A_140#4, %scan3A_140#5, %scan3A_140#6, %scan3A_140#7 : vector<16xf32>, vector<16xf32>, vector<16xf32>, vector<16xf32>, vector<16xf32>, vector<16xf32>, vector<16xf32>, vector<16xf32>
    }
    %mul3A_39 = arith.constant 160 : i32
    %mul3A_40 = arith.muli %add3A, %mul3A_39 : i32
    %dma_wait3A = arith.constant 0 : i32
    %dma_wait3A_41 = tpu.memref_slice %arg4[%mul3A_40, %dma_wait3A] : memref<80000x128xf32, #tpu.memory_space<hbm>> -> memref<160x128xf32, #tpu.memory_space<hbm>>
    %dma_wait3A_42 = arith.constant 0 : i32
    %dma_wait3A_43 = tpu.memref_slice %arg4[%mul3A_40, %dma_wait3A_42] : memref<80000x128xf32, #tpu.memory_space<hbm>> -> memref<160x128xf32, #tpu.memory_space<hbm>>
    tpu.wait_dma2 semaphore(%arg14 : memref<!tpu.dma_semaphore, #tpu.memory_space<semaphore_mem>>) src(%arg11 : memref<160x128xf32, #tpu.memory_space<vmem>>) dst(%dma_wait3A_43 : memref<160x128xf32, #tpu.memory_space<hbm>>)
    %swap3A = arith.constant 0 : index
    %swap3A_44 = tpu.vector_load %arg12[%swap3A] {strides = array<i32>} : memref<128xf32, #tpu.memory_space<vmem>>, vector<16xf32>,
    %swap3A_45 = vector.shape_cast %swap3A_44 : vector<16xf32> to vector<16xf32>
    %swap3A_46 = vector.shape_cast %while3A_38#0 : vector<16xf32> to vector<16xf32>
    tpu.vector_store %arg12[%swap3A], %swap3A_46 {strides = array<i32>} : memref<128xf32, #tpu.memory_space<vmem>>, vector<16xf32>,
    %swap3A_47 = arith.constant 64 : index
    %swap3A_48 = tpu.vector_load %arg12[%swap3A_47] {strides = array<i32>} : memref<128xf32, #tpu.memory_space<vmem>>, vector<16xf32>,
    %swap3A_49 = vector.shape_cast %swap3A_48 : vector<16xf32> to vector<16xf32>
    %swap3A_50 = vector.shape_cast %while3A_38#1 : vector<16xf32> to vector<16xf32>
    tpu.vector_store %arg12[%swap3A_47], %swap3A_50 {strides = array<i32>} : memref<128xf32, #tpu.memory_space<vmem>>, vector<16xf32>,
    %swap3A_51 = arith.constant 16 : index
    %swap3A_52 = tpu.vector_load %arg12[%swap3A_51] {strides = array<i32>} : memref<128xf32, #tpu.memory_space<vmem>>, vector<16xf32>,
    %swap3A_53 = vector.shape_cast %swap3A_52 : vector<16xf32> to vector<16xf32>
    %swap3A_54 = vector.shape_cast %while3A_38#2 : vector<16xf32> to vector<16xf32>
    tpu.vector_store %arg12[%swap3A_51], %swap3A_54 {strides = array<i32>} : memref<128xf32, #tpu.memory_space<vmem>>, vector<16xf32>,
    %swap3A_55 = arith.constant 80 : index
    %swap3A_56 = tpu.vector_load %arg12[%swap3A_55] {strides = array<i32>} : memref<128xf32, #tpu.memory_space<vmem>>, vector<16xf32>,
    %swap3A_57 = vector.shape_cast %swap3A_56 : vector<16xf32> to vector<16xf32>
    %swap3A_58 = vector.shape_cast %while3A_38#3 : vector<16xf32> to vector<16xf32>
    tpu.vector_store %arg12[%swap3A_55], %swap3A_58 {strides = array<i32>} : memref<128xf32, #tpu.memory_space<vmem>>, vector<16xf32>,
    %swap3A_59 = arith.constant 32 : index
    %swap3A_60 = tpu.vector_load %arg12[%swap3A_59] {strides = array<i32>} : memref<128xf32, #tpu.memory_space<vmem>>, vector<16xf32>,
    %swap3A_61 = vector.shape_cast %swap3A_60 : vector<16xf32> to vector<16xf32>
    %swap3A_62 = vector.shape_cast %while3A_38#4 : vector<16xf32> to vector<16xf32>
    tpu.vector_store %arg12[%swap3A_59], %swap3A_62 {strides = array<i32>} : memref<128xf32, #tpu.memory_space<vmem>>, vector<16xf32>,
    %swap3A_63 = arith.constant 96 : index
    %swap3A_64 = tpu.vector_load %arg12[%swap3A_63] {strides = array<i32>} : memref<128xf32, #tpu.memory_space<vmem>>, vector<16xf32>,
    %swap3A_65 = vector.shape_cast %swap3A_64 : vector<16xf32> to vector<16xf32>
    %swap3A_66 = vector.shape_cast %while3A_38#5 : vector<16xf32> to vector<16xf32>
    tpu.vector_store %arg12[%swap3A_63], %swap3A_66 {strides = array<i32>} : memref<128xf32, #tpu.memory_space<vmem>>, vector<16xf32>,
    %swap3A_67 = arith.constant 48 : index
    %swap3A_68 = tpu.vector_load %arg12[%swap3A_67] {strides = array<i32>} : memref<128xf32, #tpu.memory_space<vmem>>, vector<16xf32>,
    %swap3A_69 = vector.shape_cast %swap3A_68 : vector<16xf32> to vector<16xf32>
    %swap3A_70 = vector.shape_cast %while3A_38#6 : vector<16xf32> to vector<16xf32>
    tpu.vector_store %arg12[%swap3A_67], %swap3A_70 {strides = array<i32>} : memref<128xf32, #tpu.memory_space<vmem>>, vector<16xf32>,
    %swap3A_71 = arith.constant 112 : index
    %swap3A_72 = tpu.vector_load %arg12[%swap3A_71] {strides = array<i32>} : memref<128xf32, #tpu.memory_space<vmem>>, vector<16xf32>,
    %swap3A_73 = vector.shape_cast %swap3A_72 : vector<16xf32> to vector<16xf32>
    %swap3A_74 = vector.shape_cast %while3A_38#7 : vector<16xf32> to vector<16xf32>
    tpu.vector_store %arg12[%swap3A_71], %swap3A_74 {strides = array<i32>} : memref<128xf32, #tpu.memory_space<vmem>>, vector<16xf32>,
    "tpu.region"() ({
      %run_scoped3A = tpu.sem_alloc : memref<!tpu.dma_semaphore, #tpu.memory_space<semaphore_mem>>
      %dma_start3A_75 = arith.constant 0 : i32
      %dma_start3A_76 = tpu.memref_slice %arg5[%add3A, %dma_start3A_75] : memref<32x128xf32, #tpu.memory_space<hbm>> -> memref<1x128xf32, #tpu.memory_space<hbm>>
      %dma_start3A_77 = tpu.memref_squeeze %dma_start3A_76 : memref<1x128xf32, #tpu.memory_space<hbm>> -> memref<128xf32, #tpu.memory_space<hbm>>
      %dma_start3A_78 = arith.constant 0 : i32
      %dma_start3A_79 = tpu.memref_slice %arg5[%add3A, %dma_start3A_78] : memref<32x128xf32, #tpu.memory_space<hbm>> -> memref<1x128xf32, #tpu.memory_space<hbm>>
      %dma_start3A_80 = tpu.memref_squeeze %dma_start3A_79 : memref<1x128xf32, #tpu.memory_space<hbm>> -> memref<128xf32, #tpu.memory_space<hbm>>
      tpu.enqueue_dma source(%arg12 : memref<128xf32, #tpu.memory_space<vmem>>) target(%dma_start3A_80 : memref<128xf32, #tpu.memory_space<hbm>>) target_semaphore(%run_scoped3A : memref<!tpu.dma_semaphore, #tpu.memory_space<semaphore_mem>>)
      %dma_wait3A_81 = arith.constant 0 : i32
      %dma_wait3A_82 = tpu.memref_slice %arg5[%add3A, %dma_wait3A_81] : memref<32x128xf32, #tpu.memory_space<hbm>> -> memref<1x128xf32, #tpu.memory_space<hbm>>
      %dma_wait3A_83 = tpu.memref_squeeze %dma_wait3A_82 : memref<1x128xf32, #tpu.memory_space<hbm>> -> memref<128xf32, #tpu.memory_space<hbm>>
      %dma_wait3A_84 = arith.constant 0 : i32
      %dma_wait3A_85 = tpu.memref_slice %arg5[%add3A, %dma_wait3A_84] : memref<32x128xf32, #tpu.memory_space<hbm>> -> memref<1x128xf32, #tpu.memory_space<hbm>>
      %dma_wait3A_86 = tpu.memref_squeeze %dma_wait3A_85 : memref<1x128xf32, #tpu.memory_space<hbm>> -> memref<128xf32, #tpu.memory_space<hbm>>
      tpu.wait_dma2 semaphore(%run_scoped3A : memref<!tpu.dma_semaphore, #tpu.memory_space<semaphore_mem>>) src(%arg12 : memref<128xf32, #tpu.memory_space<vmem>>) dst(%dma_wait3A_86 : memref<128xf32, #tpu.memory_space<hbm>>)
      tpu.yield
    }) : () -> ()
    return
  }
}

module attributes {stable_mosaic.version = 14 : i64} {
  func.func @body(%arg0: i32, %arg1: memref<1x3x10000xf32, #tpu.memory_space<vmem>>, %arg2: memref<3x64xf32, #tpu.memory_space<vmem>>, %arg3: memref<10000x128xf32, #tpu.memory_space<vmem>>) attributes {dimension_semantics = [#tpu.dimension_semantics<arbitrary>], iteration_bounds = array<i64: 8>, scalar_prefetch = 0 : i64, scratch_operands = 0 : i64, tpu.core_type = #tpu.core_type<tc>, window_params = [{transform_indices = @transform_0, window_bounds = array<i64: 1, 3, 10000>}, {pipeline_mode = #tpu.pipeline_mode<synchronous>, transform_indices = @transform_1, window_bounds = array<i64: 3, 64>}, {transform_indices = @transform_2, window_bounds = array<i64: 10000, 128>}]} {
    %get3A = arith.constant 0 : index
    %get3A_0 = arith.constant 0 : index
    %get3A_1 = arith.constant 0 : index
    %get3A_2 = vector.load %arg1[%get3A, %get3A_0, %get3A_1] : memref<1x3x10000xf32, #tpu.memory_space<vmem>>, vector<1x3x10000xf32>
    %get3A_3 = vector.shape_cast %get3A_2 : vector<1x3x10000xf32> to vector<3x10000xf32>
    %get3A_4 = arith.constant 0 : index
    %get3A_5 = arith.constant 0 : index
    %get3A_6 = vector.load %arg2[%get3A_4, %get3A_5] : memref<3x64xf32, #tpu.memory_space<vmem>>, vector<3x64xf32>
    %mul3A = arith.mulf %get3A_6, %get3A_6 : vector<3x64xf32>
    %reduce_sum3A = arith.constant dense<0.000000e+00> : vector<64xf32>
    %reduce_sum3A_7 = vector.multi_reduction <add>, %mul3A, %reduce_sum3A [0] : vector<3x64xf32> to vector<64xf32>
    %broadcast_in_dim3A = vector.shape_cast %reduce_sum3A_7 : vector<64xf32> to vector<1x64xf32>
    %sqrt3A = math.sqrt %broadcast_in_dim3A : vector<1x64xf32>
    %max3A = arith.constant 9.99999996E-13 : f32
    %max3A_8 = vector.broadcast %max3A : f32 to vector<1x64xf32>
    %max3A_9 = arith.maximumf %sqrt3A, %max3A_8 : vector<1x64xf32>
    %div3A = vector.broadcast %max3A_9 : vector<1x64xf32> to vector<3x64xf32>
    %div3A_10 = arith.divf %get3A_6, %div3A : vector<3x64xf32>
    %mul3A_11 = arith.mulf %get3A_3, %get3A_3 : vector<3x10000xf32>
    %reduce_sum3A_12 = arith.constant dense<0.000000e+00> : vector<10000xf32>
    %reduce_sum3A_13 = vector.multi_reduction <add>, %mul3A_11, %reduce_sum3A_12 [0] : vector<3x10000xf32> to vector<10000xf32>
    %broadcast_in_dim3A_14 = vector.shape_cast %reduce_sum3A_13 : vector<10000xf32> to vector<1x10000xf32>
    %sqrt3A_15 = math.sqrt %broadcast_in_dim3A_14 : vector<1x10000xf32>
    %max3A_16 = arith.constant 9.99999996E-13 : f32
    %max3A_17 = vector.broadcast %max3A_16 : f32 to vector<1x10000xf32>
    %max3A_18 = arith.maximumf %sqrt3A_15, %max3A_17 : vector<1x10000xf32>
    %div3A_19 = arith.constant 1.000000e+00 : f32
    %div3A_20 = vector.broadcast %div3A_19 : f32 to vector<1x10000xf32>
    %div3A_21 = arith.divf %div3A_20, %max3A_18 : vector<1x10000xf32>
    %mul3A_22 = vector.broadcast %div3A_21 : vector<1x10000xf32> to vector<3x10000xf32>
    %mul3A_23 = arith.mulf %get3A_3, %mul3A_22 : vector<3x10000xf32>
    %dot_general3A = arith.constant dense<0.000000e+00> : vector<10000x64xf32>
    %dot_general3A_24 = tpu.matmul %mul3A_23, %div3A_10, %dot_general3A {dimension_numbers = #tpu.dot_dimension_numbers<[0], [0], [1], [1], [0, 1, 1, 1], [], []>, transpose_lhs_hint = false} : vector<3x10000xf32>, vector<3x64xf32>, vector<10000x64xf32> -> vector<10000x64xf32>
    %swap3A = arith.constant 0 : index
    %swap3A_25 = arith.constant 0 : index
    %swap3A_26 = vector.load %arg3[%swap3A, %swap3A_25] : memref<10000x128xf32, #tpu.memory_space<vmem>>, vector<10000x64xf32>
    tpu.vector_store %arg3[%swap3A, %swap3A_25], %dot_general3A_24 {strides = array<i32>} : memref<10000x128xf32, #tpu.memory_space<vmem>>, vector<10000x64xf32>,
    return
  }
  func.func @transform_0(%arg0: i32) -> (i32, i32, i32) {
    %c0_i32 = arith.constant 0 : i32
    %c0_i32_0 = arith.constant 0 : i32
    %c0_i32_1 = arith.constant 0 : i32
    return %arg0, %c0_i32, %c0_i32_0 : i32, i32, i32
  }
  func.func @transform_1(%arg0: i32) -> (i32, i32) {
    %c0_i32 = arith.constant 0 : i32
    %c0_i32_0 = arith.constant 0 : i32
    %c0_i32_1 = arith.constant 0 : i32
    return %c0_i32, %c0_i32_0 : i32, i32
  }
  func.func @transform_2(%arg0: i32) -> (i32, i32) {
    %c0_i32 = arith.constant 0 : i32
    %c0_i32_0 = arith.constant 0 : i32
    return %arg0, %c0_i32 : i32, i32
  }
}

module attributes {stable_mosaic.version = 14 : i64} {
  func.func @body(%arg0: i32, %arg1: memref<10000x128xf32, #tpu.memory_space<vmem>>, %arg2: memref<32x128xf32, #tpu.memory_space<vmem>>, %arg3: memref<1x64xf32, #tpu.memory_space<vmem>>, %arg4: memref<1x64xf32, #tpu.memory_space<vmem>>, %arg5: memref<1x64x10000xf32, #tpu.memory_space<vmem>>) attributes {dimension_semantics = [#tpu.dimension_semantics<arbitrary>], iteration_bounds = array<i64: 8>, scalar_prefetch = 0 : i64, scratch_operands = 0 : i64, tpu.core_type = #tpu.core_type<tc>, window_params = [{transform_indices = @transform_0, window_bounds = array<i64: 10000, 128>}, {pipeline_mode = #tpu.pipeline_mode<synchronous>, transform_indices = @transform_1, window_bounds = array<i64: 32, 128>}, {pipeline_mode = #tpu.pipeline_mode<synchronous>, transform_indices = @transform_2, window_bounds = array<i64: 1, 64>}, {pipeline_mode = #tpu.pipeline_mode<synchronous>, transform_indices = @transform_3, window_bounds = array<i64: 1, 64>}, {transform_indices = @transform_4, window_bounds = array<i64: 1, 64, 10000>}]} {
    %get3A = arith.constant 0 : index
    %get3A_0 = arith.constant 0 : index
    %get3A_1 = vector.load %arg2[%get3A, %get3A_0] : memref<32x128xf32, #tpu.memory_space<vmem>>, vector<32x128xf32>
    %reduce_sum3A = arith.constant dense<0.000000e+00> : vector<128xf32>
    %reduce_sum3A_2 = vector.multi_reduction <add>, %get3A_1, %reduce_sum3A [0] : vector<32x128xf32> to vector<128xf32>
    %broadcast_in_dim3A = vector.shape_cast %reduce_sum3A_2 : vector<128xf32> to vector<1x128xf32>
    %slice3A = vector.extract_strided_slice %broadcast_in_dim3A {offsets = [0, 0], sizes = [1, 64], strides = [1, 1]} : vector<1x128xf32> to vector<1x64xf32>
    %slice3A_3 = vector.extract_strided_slice %broadcast_in_dim3A {offsets = [0, 64], sizes = [1, 64], strides = [1, 1]} : vector<1x128xf32> to vector<1x64xf32>
    %div3A = arith.constant 8.000000e+04 : f32
    %div3A_4 = vector.broadcast %div3A : f32 to vector<1x64xf32>
    %div3A_5 = arith.divf %slice3A, %div3A_4 : vector<1x64xf32>
    %div3A_6 = arith.constant 8.000000e+04 : f32
    %div3A_7 = vector.broadcast %div3A_6 : f32 to vector<1x64xf32>
    %div3A_8 = arith.divf %slice3A_3, %div3A_7 : vector<1x64xf32>
    %mul3A = arith.mulf %div3A_5, %div3A_5 : vector<1x64xf32>
    %sub3A = arith.subf %div3A_8, %mul3A : vector<1x64xf32>
    %get3A_9 = arith.constant 0 : index
    %get3A_10 = arith.constant 0 : index
    %get3A_11 = vector.load %arg3[%get3A_9, %get3A_10] : memref<1x64xf32, #tpu.memory_space<vmem>>, vector<1x64xf32>
    %add3A = arith.constant 9.99999974E-6 : f32
    %add3A_12 = vector.broadcast %add3A : f32 to vector<1x64xf32>
    %add3A_13 = arith.addf %sub3A, %add3A_12 : vector<1x64xf32>
    %sqrt3A = math.sqrt %add3A_13 : vector<1x64xf32>
    %div3A_14 = arith.divf %get3A_11, %sqrt3A : vector<1x64xf32>
    %get3A_15 = arith.constant 0 : index
    %get3A_16 = arith.constant 0 : index
    %get3A_17 = vector.load %arg4[%get3A_15, %get3A_16] : memref<1x64xf32, #tpu.memory_space<vmem>>, vector<1x64xf32>
    %mul3A_18 = arith.mulf %div3A_5, %div3A_14 : vector<1x64xf32>
    %sub3A_19 = arith.subf %get3A_17, %mul3A_18 : vector<1x64xf32>
    %get3A_20 = arith.constant 0 : index
    %get3A_21 = arith.constant 0 : index
    %get3A_22 = vector.load %arg1[%get3A_20, %get3A_21] : memref<10000x128xf32, #tpu.memory_space<vmem>>, vector<10000x64xf32>
    %mul3A_23 = vector.broadcast %div3A_14 : vector<1x64xf32> to vector<10000x64xf32>
    %mul3A_24 = arith.mulf %get3A_22, %mul3A_23 : vector<10000x64xf32>
    %add3A_25 = vector.broadcast %sub3A_19 : vector<1x64xf32> to vector<10000x64xf32>
    %add3A_26 = arith.addf %mul3A_24, %add3A_25 : vector<10000x64xf32>
    %max3A = arith.constant 0.000000e+00 : f32
    %max3A_27 = vector.broadcast %max3A : f32 to vector<10000x64xf32>
    %max3A_28 = arith.maximumf %add3A_26, %max3A_27 : vector<10000x64xf32>
    %transpose3A = tpu.transpose %max3A_28, [1, 0] : vector<10000x64xf32> -> vector<64x10000xf32>
    %swap3A = arith.constant 0 : index
    %swap3A_29 = arith.constant 0 : index
    %swap3A_30 = arith.constant 0 : index
    %swap3A_31 = vector.load %arg5[%swap3A, %swap3A_29, %swap3A_30] : memref<1x64x10000xf32, #tpu.memory_space<vmem>>, vector<1x64x10000xf32>
    %swap3A_32 = vector.shape_cast %swap3A_31 : vector<1x64x10000xf32> to vector<64x10000xf32>
    %swap3A_33 = vector.shape_cast %transpose3A : vector<64x10000xf32> to vector<1x64x10000xf32>
    tpu.vector_store %arg5[%swap3A, %swap3A_29, %swap3A_30], %swap3A_33 {strides = array<i32>} : memref<1x64x10000xf32, #tpu.memory_space<vmem>>, vector<1x64x10000xf32>,
    return
  }
  func.func @transform_0(%arg0: i32) -> (i32, i32) {
    %c0_i32 = arith.constant 0 : i32
    %c0_i32_0 = arith.constant 0 : i32
    return %arg0, %c0_i32 : i32, i32
  }
  func.func @transform_1(%arg0: i32) -> (i32, i32) {
    %c0_i32 = arith.constant 0 : i32
    %c0_i32_0 = arith.constant 0 : i32
    %c0_i32_1 = arith.constant 0 : i32
    return %c0_i32, %c0_i32_0 : i32, i32
  }
  func.func @transform_2(%arg0: i32) -> (i32, i32) {
    %c0_i32 = arith.constant 0 : i32
    %c0_i32_0 = arith.constant 0 : i32
    %c0_i32_1 = arith.constant 0 : i32
    return %c0_i32, %c0_i32_0 : i32, i32
  }
  func.func @transform_3(%arg0: i32) -> (i32, i32) {
    %c0_i32 = arith.constant 0 : i32
    %c0_i32_0 = arith.constant 0 : i32
    %c0_i32_1 = arith.constant 0 : i32
    return %c0_i32, %c0_i32_0 : i32, i32
  }
  func.func @transform_4(%arg0: i32) -> (i32, i32, i32) {
    %c0_i32 = arith.constant 0 : i32
    %c0_i32_0 = arith.constant 0 : i32
    %c0_i32_1 = arith.constant 0 : i32
    return %arg0, %c0_i32, %c0_i32_0 : i32, i32, i32
  }
}

</mosaic_0001>

<sc_bundles>
// kernel: kernel.5.cloned.1.call-start
scs
__scs_entry_jumppad:
0x0: {  	(pc) =	sbr.rel $0x88, $3  }
0x1: {  	(tag) =	ssettag $0x0;
	lr =	simm.s32 $0x1  }
0x2: {  	[smem:$0x3F9C] =	sst lr;
	_ =	strace $0xD0000000  }
0x3: {  	_ = 	snop  }
0x4: {  	_ = 	snop  }
0x5: {  	_ = 	snop  }
0x6: {  	_ = 	snop  }
0x7: {  	_ = 	snop  }
__scs_overlays_trampoline_lowered:
0x8: {  	[smem:$0x3FAB] =	sst s0  }
0x9: {  	[smem:$0x3FAC] =	sst s1  }
0xa: {  	[smem:$0x3FAD] =	sst s2  }
0xb: {  	[smem:$0x3FAE] =	sst s3  }
0xc: {  	[smem:$0x3FAF] =	sst s4  }
0xd: {  	[smem:$0x3FB0] =	sst s5  }
0xe: {  	[smem:$0x3FB1] =	sst s6  }
0xf: {  	[smem:$0x3FB2] =	sst s7  }
0x10: {  	[smem:$0x3FB3] =	sst s8  }
0x11: {  	[smem:$0x3FB4] =	sst s9;
	s0 =	simm.s32 @!p0 $0x0  }
0x12: {  	s1 =	sld [smem:$0x3F9A];
	s0 =	simm.s32 @p0 $0x1  }
0x13: {  	[smem:$0x3FB5] =	sst s0;
	s0 =	simm.s32 @!p1 $0x0  }
0x14: {  	s2 =	sld [smem:$0x3F99];
	s0 =	simm.s32 @p1 $0x1  }
0x15: {  	[smem:$0x3FB6] =	sst s0;
	s0 =	simm.s32 @!p2 $0x0  }
0x16: {  	s3 =	sld [smem:$0x3FDB];
	s0 =	simm.s32 @p2 $0x1  }
0x17: {  	s4 =	simm.s32 $0x1BF5;
	[smem:$0x3FB8] =	sst s0  }
0x18: {  	s0 =	sld [smem:$0x3F9B];
	_ =	swait.ge [sflag:s4], $0x0  }
0x19: {  	s7 =	sld [smem:$0x3F9C]  }
0x1a: {  	s8 =	sadd.s32 $0xFFFFE003, lr  }
0x1b: {  	s9 =	sadd.s32 $0xFFFFFEF7, lr;
	s5 =	simm.s32 $0xFFFFFFFF;
	p2 =	slt.u32 s8, $0xFFFFF086  }
0x1c: {  	p1 =	slt.u32 s9, $0xF7A;
	s5 =	simm.s32 @!p2 $0x0  }
0x1d: {  	s5 =	simm.s32 @p1 $0x1;
	p0 =	seq.s32 s7, s2  }
0x1e: {  	s7 =	smul.u32 @!p0 $0xF7A, s2;
	p2 =	seq.s32 @!p0 s5, $0x0  }
0x1f: {  	s9 =	smul.u32 $0xF7A, s1;
	s8 =	simm.s32 @!p0 $0x1BF5;
	p2 =	por !p2, p0  }
0x20: {  	[sflag:s8] =	ssyncset.s32 @!p0 $0xFFFFF086;
	s6 =	sadd.s32 @!p0 s3, s7;
	s7 =	simm.s32 @!p0 $0x108  }
0x21: {  	s3 =	sadd.s32 s3, s9;
	s6 =	sadd.s32 @!p0 $0x88, s6;
	s7 =	simm.s32 @p2 $0x1082  }
0x22: {  	[simem:s7], [sflag:s8] =	dma.local @!p0 [hbm:s6], $0xF7A  }
0x23: {  	s9 =	sor.u32 $0xD0000000, s2;
	s6 =	simm.s32 $0x108;
	_ =	swait.ge @!p0 [sflag:s8], $0x0  }
0x24: {  	s3 =	sadd.s32 $0x88, s3;
	s6 =	simm.s32 @!p1 $0x1082;
	[sflag:s4] =	ssyncset.s32 $0xFFFFF086  }
0x25: {  	[simem:s6], [sflag:s4] =	dma.local [hbm:s3], $0xF7A  }
0x26: {  	[smem:$0x3F9C] =	sst s1;
	(tag) =	ssettag s2;
	_ =	strace s9  }
0x27: {  	s1 =	sld [smem:$0x3FAC]  }
0x28: {  	s2 =	sld [smem:$0x3FAD]  }
0x29: {  	s4 =	sld [smem:$0x3FAF]  }
0x2a: {  	p0 =	seq.s32 s5, $0x0;
	s5 =	sld [smem:$0x3FB0]  }
0x2b: {  	s6 =	sld [smem:$0x3FB1]  }
0x2c: {  	s7 =	sld [smem:$0x3FB2]  }
0x2d: {  	s3 =	simm.s32 $0x108;
	s8 =	sld [smem:$0x3FB3]  }
0x2e: {  	s3 =	simm.s32 @!p0 $0x1082;
	s9 =	sld [smem:$0x3FB4]  }
0x2f: {  	lr =	sadd.s32 s0, s3;
	s0 =	sld [smem:$0x3FAB]  }
0x30: {  	s3 =	sld [smem:$0x3FAE]  }
0x31: {  	[smem:$0x3FB7] =	sst s10  }
0x32: {  	s10 =	sld [smem:$0x3FB5];
	_ =	sdelay $0x3  }
0x33: {  	p0 =	seq.s32 s10, $0x1;
	s10 =	sld [smem:$0x3FB7];
	_ =	sdelay $0x3  }
0x34: {  	[smem:$0x3FB7] =	sst s10  }
0x35: {  	s10 =	sld [smem:$0x3FB6];
	_ =	sdelay $0x3  }
0x36: {  	p1 =	seq.s32 s10, $0x1;
	s10 =	sld [smem:$0x3FB7];
	_ =	sdelay $0x3  }
0x37: {  	[smem:$0x3FB7] =	sst s10  }
0x38: {  	s10 =	sld [smem:$0x3FB8]  }
0x39: {  	_ = 	snop;
	(pc) =	sbr.ind lr, $3  }
0x3a: {  	_ = 	snop  }
0x3b: {  	_ = 	snop  }
0x3c: {  	p2 =	seq.s32 s10, $0x1;
	s10 =	sld [smem:$0x3FB7]  }
0x3d: {  	_ =	shalt  }
0x3e: {  	_ =	shalt  }
0x3f: {  	_ =	shalt  }
0x40: {  	_ =	shalt  }
0x41: {  	_ =	shalt  }
0x42: {  	_ =	shalt  }
0x43: {  	_ =	shalt  }
0x44: {  	_ =	shalt  }
0x45: {  	_ =	shalt  }
0x46: {  	_ =	shalt  }
0x47: {  	_ =	shalt  }
0x48: {  	_ =	shalt  }
0x49: {  	_ =	shalt  }
0x4a: {  	_ =	shalt  }
0x4b: {  	_ =	shalt  }
0x4c: {  	_ =	shalt  }
0x4d: {  	_ =	shalt  }
0x4e: {  	_ =	shalt  }
0x4f: {  	_ =	shalt  }
0x50: {  	_ =	shalt  }
0x51: {  	_ =	shalt  }
0x52: {  	_ =	shalt  }
0x53: {  	_ =	shalt  }
0x54: {  	_ =	shalt  }
0x55: {  	_ =	shalt  }
0x56: {  	_ =	shalt  }
0x57: {  	_ =	shalt  }
0x58: {  	_ =	shalt  }
0x59: {  	_ =	shalt  }
0x5a: {  	_ =	shalt  }
0x5b: {  	_ =	shalt  }
0x5c: {  	_ =	shalt  }
0x5d: {  	_ =	shalt  }
0x5e: {  	_ =	shalt  }
0x5f: {  	_ =	shalt  }
0x60: {  	_ =	shalt  }
0x61: {  	_ =	shalt  }
0x62: {  	_ =	shalt  }
0x63: {  	_ =	shalt  }
0x64: {  	_ =	shalt  }
0x65: {  	_ =	shalt  }
0x66: {  	_ =	shalt  }
0x67: {  	_ =	shalt  }
0x68: {  	_ =	shalt  }
0x69: {  	_ =	shalt  }
0x6a: {  	_ =	shalt  }
0x6b: {  	_ =	shalt  }
0x6c: {  	_ =	shalt  }
0x6d: {  	_ =	shalt  }
0x6e: {  	_ =	shalt  }
0x6f: {  	_ =	shalt  }
0x70: {  	_ =	shalt  }
0x71: {  	_ =	shalt  }
0x72: {  	_ =	shalt  }
0x73: {  	_ =	shalt  }
0x74: {  	_ =	shalt  }
0x75: {  	_ =	shalt  }
0x76: {  	_ =	shalt  }
0x77: {  	_ =	shalt  }
0x78: {  	_ =	shalt  }
0x79: {  	_ =	shalt  }
0x7a: {  	_ =	shalt  }
0x7b: {  	_ =	shalt  }
0x7c: {  	_ =	shalt  }
0x7d: {  	_ =	shalt  }
0x7e: {  	_ =	shalt  }
0x7f: {  	_ =	shalt  }
0x80: {  	_ =	shalt  }
0x81: {  	_ =	shalt  }
0x82: {  	_ =	shalt  }
0x83: {  	_ =	shalt  }
0x84: {  	_ =	shalt  }
0x85: {  	_ =	shalt  }
0x86: {  	_ =	shalt  }
0x87: {  	_ =	shalt  }
.Lfunc_end0:
.L_simem_size_0:
called_computation_lowered:
.L_overlay_start_0:
0x88: {  	s2 =	sld [smem:$0x3FD9]  }
0x89: {  	s3 =	sld [smem:$0x3FFE];
	_ =	sdelay $0x1  }
0x8a: {  	s1 =	srdreg.scid  }
0x8b: {  	s0 =	sand.u32 $0x1, s1  }
0x8c: {  	s17 =	sshll.u32 s0, $0xA;
	s2 =	sadd.s32 s3, s2  }
0x8d: {  	s2 =	sadd.s32 s2, s17  }
0x8e: {  	[smem:$0x3FC3] =	sst s2  }
0x8f: {  	_ = 	snop  }
0x90: {  	s2 =	sld [smem:$0x3FD0];
	(tm) =	ssettm $0x1  }
0x91: {  	s18 =	sld [smem:$0x3FFB];
	_ =	sdelay $0x3  }
0x92: {  	_ =	strace s18  }
0x93: {  	s3 =	sld [smem:$0x3FFC];
	_ =	sdelay $0x3  }
0x94: {  	_ =	strace s3  }
0x95: {  	s3 =	sld [smem:$0x3FFD];
	_ =	sdelay $0x3  }
0x96: {  	_ =	strace s3  }
0x97: {  	_ =	strace $0x8FFFFFFF  }
0x98: {  	s19 =	sld [smem:$0x3FDB];
	_ =	sdelay $0x1  }
0x99: {  	s4 =	simm.s32 $_scs_section_size  }
0x9a: {  	s5 =	simm.s32 $_size__tile_overlayer_lowered;
	s6 =	simm.s32 $_tile_overlayer_lowered  }
0x9b: {  	s22 =	simm.s32 $0x1BFF;
	s21 =	sshll.u32 s6, $0x1;
	s3 =	sadd.s32 s4, s19  }
0x9c: {  	s7 =	simm.s32 $0x0;
	s20 =	sshll.u32 s5, $0x1;
	s5 =	sadd.s32 s21, s3  }
0x9d: {  	[timem:s7], [sflag:s22] =	dma.local [hbm:s5], s20  }
0x9e: {  	_ =	swait.ge [sflag:s22], s20  }
0x9f: {  	s4 =	ssub.s32 $0x0, s20;
	[sflag:s22] =	ssyncset.done $0x0  }
0xa0: {  	[sflag:s22] =	ssyncadd.s32 s4;
	_ =	sdelay $0x1  }
0xa1: {  	s23 =	simm.s32 $0x1B8B  }
0xa2: {  	_ =	swait.ge [sflag:s23], $0x1  }
0xa3: {  	[sflag:s23] =	ssyncset.done $0x0  }
0xa4: {  	s25 =	simm.s32 $0x1B8E;
	s24 =	sld [smem:$0x3FFE];
	[sflag:s23] =	ssyncadd.s32 $0xFFFFFFFF  }
0xa5: {  	s26 =	simm.s32 $execute0_lowered;
	[smem:$0x3FD2] =	sst s25  }
0xa6: {  	s5 =	sshll.u32 s26, $0x1;
	_ =	strace $0x80000046;
	[dreg:$0x1] =	wrdreg $0xFFFFFFFF  }
0xa7: {  	s28 =	simm.s32 $_size_execute0_lowered;
	s3 =	sadd.s32 s3, s5;
	[dreg:$0x0] =	wrdreg $0x0  }
0xa8: {  	s5 =	sshll.u32 s28, $0x1;
	[dreg:$0x2] =	wrdreg s3  }
0xa9: {  	[dreg:$0x3] =	wrdreg s5  }
0xaa: {  	[dreg:$0x4] =	wrdreg $0xC0  }
0xab: {  	_ =	task [dreg:s7], $0x5FFFF  }
0xac: {  	[dreg:$0x1] =	wrdreg $0xFFFFFFFF  }
0xad: {  	[dreg:$0x0] =	wrdreg $0x60  }
0xae: {  	[dreg:$0x2] =	wrdreg s24  }
0xaf: {  	[dreg:$0x3] =	wrdreg s2  }
0xb0: {  	[dreg:$0x4] =	wrdreg $0x9  }
0xb1: {  	_ =	task.clear_ibuf [dreg:s7], $0x5FFFF;
	_ =	strace $0x90000046  }
0xb2: {  	s29 =	simm.s32 $0x9;
	_ =	strace $0x80000048  }
0xb3: {  	_ =	swait.ge [sflag:s29], $0x1  }
0xb4: {  	[sflag:s29] =	ssyncadd.s32 $0xFFFFFFFF  }
0xb5: {  	_ =	strace $0x90000048  }
0xb6: {  	_ =	sfence  }
0xb7: {  	s30 =	sld [smem:$0x0];
	_ =	sdelay $0x2  }
0xb8: {  	s31 =	sshll.u32 s1, $0xD;
	s1 =	sshrl.u32 s1, $0x2  }
0xb9: {  	s3 =	sand.u32 $0x4000, s31;
	s1 =	sadd.s32 s1, s30  }
0xba: {  	s0 =	sor.u32 s3, s0;
	s1 =	sshll.u32 s1, $0x11  }
0xbb: {  	s0 =	sor.u32 s1, s0  }
0xbc: {  	s0 =	sadd.s32 $0x8F2B, s0  }
0xbd: {  	[sflag:s0] =	ssyncadd.remote.s32 $0x1  }
0xbe: {  	_ =	sfence.sel $0xFFFF  }
0xbf: {  	[dreg:$0x0] =	wrdreg $0xFFFFFFFF;
	(pc) =	sbr.abs _section_cstart, $3  }
0xc0: {  	[dreg:$0x1] =	wrdreg $0xFFFFFFFF  }
0xc1: {  	_ =	task.clear_ibuf [dreg:s7], $0x2FFFF;
	_ =	strace $0x9FFFFFFF  }
0xc2: {  	(tm) =	ssettm $0x7FFFFFFF  }
0xc3: {  	_ =	shalt  }
tec
execute0_lowered:
.L_overlay_start_1:
0x0: {  	(tag) =	ssettag $0x1  }
0x1: {  	s6 =	rddreg [dreg:$0x0]  }
0x2: {  	s7 =	rddreg [dreg:$0x1]  }
0x3: {  	s0 =	rddreg [dreg:$0x2];
	s2 =	simm.s32 $0x0  }
0x4: {  	s3 =	srdreg.scid;
	s1 =	stileid.u32;
	s13 =	simm.s32 $0xA0  }
0x5: {  	s14 =	simm.s32 $0x1E00;
	s15 =	simm.s32 $0x6E00;
	s16 =	simm.s32 $0xBE00  }
0x6: {  	s17 =	simm.s32 $0x10E00;
	s18 =	simm.s32 $0x2;
	s19 =	simm.s32 $0x1  }
0x7: {  	s20 =	simm.s32 $0x1AE00;
	s21 =	simm.s32 $0x0;
	[smem:$0x7FF] =	sst s2  }
0x8: {  	s8 =	sand.u32 $0x1, s3;
	s5 =	sshll.u32 s1, $0x1;
	s3 =	sadd.s32 $0x1200, s6  }
0x9: {  	s4 =	sadd.s32 $0x139C00, s6;
	_ =	strace $0x80000047;
	s5 =	sor.u32 s8, s5  }
0xa: {  	s8 =	ssub.s32 $0x2, s8;
	s9 =	sshll.u32 s5, $0x4;
	s10 =	smul.u32 $0x3C0, s5  }
0xb: {  	s30 =	sshrl.u32 s8, $0x1;
	s11 =	smul.u32 $0xA00, s5;
	s31 =	ssub.s32 $0x213, s5  }
0xc: {  	s9 =	sadd.s32 s9, s6;
	s12 =	ssub.s32 s8, s30;
	s6 =	sadd.s32 s7, s10  }
0xd: {  	s7 =	sadd.s32 s4, s11;
	s8 =	sadd.s32 $0x139A00, s9;
	s9 =	sshrl.u32 s31, $0x5  }
0xe: {  	s10 =	smax.u32 s12, $0x1;
	s11 =	simm.s32 $0x3;
	s12 =	simm.s32 $0x15E00  }
.LBB2_1:
0xf: {  	[tilespmem:s2], [sflag:$0x3] =	stream.linear.gather [hbm4b:s6+s2], $0x1E00, $0x38;
	[tilespmem:$0x1AE80] =	vst v63  }
0x10: {  	_ =	swait.ge [sflag:s11], $0x1E00  }
0x11: {  	v4 =	vimm.f32 $0.0e+00;
	v3 =	vimm.f32 $0.0e+00;
	[sflag:s11] =	ssyncset.done $0x0  }
0x12: {  	v0 =	vimm.f32 $0.0e+00;
	v1 =	vimm.f32 $0.0e+00;
	v2 =	vimm.f32 $0.0e+00;
	s22 =	simm.s32 $0x0;
	[sflag:s11] =	ssyncadd.s32 $0xFFFFE200  }
0x13: {  	v7 =	vimm.f32 $0.0e+00;
	v6 =	vimm.f32 $0.0e+00;
	v5 =	vimm.f32 $0.0e+00;
	[hbm4b:s7+s2] =	stream.linear.scatter [tilespmem:s12], [sflag:$0x2], $0x5000, $0x38;
	[tilespmem:$0x1AE80] =	vst v63  }
.LBB2_2:
0x14: {  	s23 =	smul.u32 $0x780, s22;
	_ =	sdelay $0x1  }
0x15: {  	s23 =	sshra.s32 s23, $0x2  }
0x16: {  	[tilespmem:s14], [sflag:$0x1] =	stream.indirect.gather [hbm4b:s3+s13], $0x80, s23, s13, $0xb8;
	[tilespmem:$0x1AE80] =	vst v63  }
0x17: {  	s31 =	sshll.u32 s22, $0x5;
	s24 =	sadd.s32 $0xA0, s23  }
0x18: {  	[tilespmem:s15], [sflag:$0x1] =	stream.indirect.gather [hbm4b:s3+s13], $0x80, s24, s13, $0xb8;
	[tilespmem:$0x1AE80] =	vst v63  }
0x19: {  	s24 =	sor.u32 s5, s31  }
0x1a: {  	s23 =	sadd.s32 $0x140, s23;
	s24 =	smul.u32 $0x5000, s24  }
0x1b: {  	[tilespmem:s16], [sflag:$0x1] =	stream.indirect.gather [hbm4b:s3+s13], $0x80, s23, s13, $0xb8;
	[tilespmem:$0x1AE80] =	vst v63  }
0x1c: {  	s23 =	sshrl.u32 s24, $0x3  }
0x1d: {  	s25 =	simm.s32 $0x0;
	s24 =	sadd.s32 s3, s23  }
0x1e: {  	[tilespmem:s17], [sflag:$0x3] =	stream.linear.gather [hbm4b:s24+s25], $0x5000, $0x38;
	[tilespmem:$0x1AE80] =	vst v63  }
0x1f: {  	_ =	swait.ge [sflag:s11], $0x5000  }
0x20: {  	[sflag:s11] =	ssyncset.done $0x0  }
0x21: {  	[sflag:s11] =	ssyncadd.s32 $0xFFFFB000  }
0x22: {  	_ =	swait.ge [sflag:s18], $0x5000  }
0x23: {  	[sflag:s18] =	ssyncset.done $0x0  }
0x24: {  	[sflag:s18] =	ssyncadd.s32 $0xFFFFB000  }
0x25: {  	_ =	swait.ge [sflag:s19], $0x5000  }
0x26: {  	[sflag:s19] =	ssyncset.done $0x0  }
0x27: {  	[sflag:s19] =	ssyncadd.s32 $0xFFFFB000  }
0x28: {  	_ =	swait.ge [sflag:s19], $0x5000  }
0x29: {  	[sflag:s19] =	ssyncset.done $0x0  }
0x2a: {  	[sflag:s19] =	ssyncadd.s32 $0xFFFFB000  }
0x2b: {  	_ =	swait.ge [sflag:s19], $0x5000  }
0x2c: {  	[sflag:s19] =	ssyncset.done $0x0  }
0x2d: {  	s24 =	simm.s32 $0x0;
	[sflag:s19] =	ssyncadd.s32 $0xFFFFB000  }
0x2e: {  	v8 =	vld [tilespmem:s24+$0x1E30]  }
0x2f: {  	v9 =	vld [tilespmem:s24+$0x6E30]  }
0x30: {  	v10 =	vld [tilespmem:s24+$0xBE30]  }
0x31: {  	v11 =	vld [tilespmem:s24+$0x10E30]  }
0x32: {  	v12 =	vld [tilespmem:s24+$0x1E00]  }
0x33: {  	v13 =	vld [tilespmem:s24+$0x6E00]  }
0x34: {  	v14 =	vld [tilespmem:s24+$0xBE00]  }
0x35: {  	v15 =	vld [tilespmem:s24+$0x10E00]  }
0x36: {  	v16 =	vld [tilespmem:s24+$0x1E10]  }
0x37: {  	v17 =	vld [tilespmem:s24+$0x10E10]  }
0x38: {  	v8 =	vmax.f32 v8, v9;
	v9 =	vmax.f32 v10, v11;
	v11 =	vld [tilespmem:s24+$0x6E10]  }
0x39: {  	v8 =	vmax.f32 v8, v9;
	v9 =	vld [tilespmem:s24+$0xBE10]  }
0x3a: {  	v10 =	vmax.f32 v12, v13;
	v12 =	vmax.f32 v14, v15;
	v14 =	vld [tilespmem:s24+$0x1E20]  }
0x3b: {  	v15 =	vld [tilespmem:s24+$0x6E20]  }
0x3c: {  	v13 =	vmax.f32 v10, v12;
	v10 =	vld [tilespmem:s24+$0xBE20];
	[tilespmem:s24+$0x15E30] =	vst v8  }
0x3d: {  	s25 =	simm.s32 $0x80;
	v12 =	vld [tilespmem:s24+$0x10E20];
	[tilespmem:s24+$0x15E00] =	vst v13;
	v18 =	vmul.f32 v8, v8;
	v3 =	vadd.f32 v8, v3;
	v19 =	vmul.f32 v13, v13  }
0x3e: {  	v5 =	vadd.f32 v13, v5;
	v8 =	vld [tilespmem:s25+$0x1E30];
	v11 =	vmax.f32 v16, v11;
	v63 =	vmax.f32 v9, v17  }
0x3f: {  	v4 =	vadd.f32 v18, v4;
	v6 =	vadd.f32 v19, v6;
	v9 =	vld [tilespmem:s25+$0x6E30];
	v13 =	vmax.f32 v11, v63  }
0x40: {  	s26 =	simm.s32 $0x400;
	v14 =	vmax.f32 v14, v15;
	v11 =	vld [tilespmem:s25+$0xBE30];
	[tilespmem:s24+$0x15E10] =	vst v13;
	v7 =	vadd.f32 v13, v7;
	v13 =	vmul.f32 v13, v13  }
.LBB2_3:
0x41: {  	p0 =	sne.s32 s26, $0x13E00;
	v15 =	vld [tilespmem:s25+$0x10E30]  }
0x42: {  	v16 =	vld [tilespmem:s25+$0x1E00];
	v2 =	vadd.f32 v13, v2;
	v10 =	vmax.f32 v10, v12  }
0x43: {  	v12 =	vld [tilespmem:s25+$0x6E00];
	v10 =	vmax.f32 v14, v10  }
0x44: {  	v13 =	vld [tilespmem:s25+$0xBE00];
	[tilespmem:s24+$0x15E20] =	vst v10;
	v1 =	vadd.f32 v10, v1;
	v10 =	vmul.f32 v10, v10;
	s24 =	smov.u32 s25  }
0x45: {  	v14 =	vld [tilespmem:s24+$0x10E00]  }
0x46: {  	v8 =	vmax.f32 v8, v9;
	v17 =	vld [tilespmem:s24+$0x1E10];
	v9 =	vmax.f32 v11, v15;
	v0 =	vadd.f32 v10, v0  }
0x47: {  	v10 =	vld [tilespmem:s24+$0x6E10];
	v8 =	vmax.f32 v8, v9  }
0x48: {  	v9 =	vmax.f32 v16, v12;
	v11 =	vld [tilespmem:s24+$0xBE10];
	[tilespmem:s24+$0x15E30] =	vst v8;
	v3 =	vadd.f32 v8, v3;
	v8 =	vmul.f32 v8, v8  }
0x49: {  	v15 =	vld [tilespmem:s24+$0x10E10]  }
0x4a: {  	v12 =	vmax.f32 v13, v14;
	v14 =	vld [tilespmem:s24+$0x1E20];
	v4 =	vadd.f32 v8, v4  }
0x4b: {  	v8 =	vmax.f32 v9, v12;
	v16 =	vld [tilespmem:s24+$0x6E20]  }
.Ltmp0:
0x4c: {  	[tilespmem:s24+$0x15E00] =	vst v8;
	v5 =	vadd.f32 v8, v5;
	v9 =	vmul.f32 v8, v8;
	v13 =	vmax.f32 v17, v10;
	v10 =	vld [tilespmem:s24+$0xBE20];
	(pc) =	sbr.rel @p0 .LBB2_3-.Ltmp0, $4  }
0x4d: {  	s25 =	sshra.s32 s26, $0x2;
	v12 =	vld [tilespmem:s24+$0x10E20]  }
0x4e: {  	v8 =	vld [tilespmem:s25+$0x1E30];
	v6 =	vadd.f32 v9, v6;
	v11 =	vmax.f32 v11, v15  }
0x4f: {  	v9 =	vld [tilespmem:s25+$0x6E30];
	v13 =	vmax.f32 v13, v11  }
0x50: {  	s26 =	sadd.s32 $0x200, s26;
	v11 =	vld [tilespmem:s25+$0xBE30];
	[tilespmem:s24+$0x15E10] =	vst v13;
	v7 =	vadd.f32 v13, v7;
	v13 =	vmul.f32 v13, v13;
	v14 =	vmax.f32 v14, v16  }
0x51: {  	v15 =	vld [tilespmem:s25+$0x10E30]  }
0x52: {  	v16 =	vld [tilespmem:s25+$0x1E00];
	v10 =	vmax.f32 v10, v12  }
0x53: {  	v50 =	vld [tilespmem:s25+$0x6E00];
	v10 =	vmax.f32 v14, v10  }
0x54: {  	v51 =	vld [tilespmem:s25+$0xBE00];
	[tilespmem:s24+$0x15E20] =	vst v10  }
0x55: {  	v17 =	vld [tilespmem:s25+$0x10E00]  }
0x56: {  	v18 =	vld [tilespmem:s25+$0x1E10]  }
0x57: {  	v53 =	vld [tilespmem:s25+$0x6E10]  }
0x58: {  	v54 =	vld [tilespmem:s25+$0xBE10]  }
0x59: {  	v55 =	vld [tilespmem:s25+$0x10E10]  }
0x5a: {  	v56 =	vld [tilespmem:s25+$0x1E20]  }
0x5b: {  	v58 =	vld [tilespmem:s25+$0xBE20]  }
0x5c: {  	v19 =	vld [tilespmem:s25+$0x10E20]  }
0x5d: {  	v8 =	vmax.f32 v8, v9;
	v59 =	vmul.f32 v10, v10;
	v57 =	vld [tilespmem:s25+$0x6E20];
	v52 =	vmax.f32 v11, v15  }
0x5e: {  	v2 =	vadd.f32 v13, v2;
	v1 =	vadd.f32 v10, v1;
	v8 =	vmax.f32 v8, v52  }
0x5f: {  	v12 =	vmax.f32 v16, v50;
	v0 =	vadd.f32 v59, v0;
	v61 =	vmul.f32 v8, v8  }
0x60: {  	s22 =	sadd.s32 $0x1, s22;
	v3 =	vadd.f32 v8, v3;
	v14 =	vmax.f32 v51, v17;
	v11 =	vmax.f32 v18, v53  }
0x61: {  	p0 =	sne.s32 s22, s9;
	v9 =	vmax.f32 v54, v55;
	v60 =	vmax.f32 v58, v19;
	v4 =	vadd.f32 v61, v4  }
.Ltmp1:
0x62: {  	[tilespmem:s25+$0x15E30] =	vst v8;
	v12 =	vmax.f32 v12, v14;
	v9 =	vmax.f32 v11, v9;
	v14 =	vmax.f32 v56, v57;
	(pc) =	sbr.rel @p0 .LBB2_2-.Ltmp1, $4  }
0x63: {  	[tilespmem:s25+$0x15E00] =	vst v12;
	v14 =	vmax.f32 v14, v60;
	v62 =	vmul.f32 v12, v12;
	v8 =	vmul.f32 v9, v9  }
0x64: {  	[tilespmem:s25+$0x15E10] =	vst v9;
	v5 =	vadd.f32 v12, v5;
	v7 =	vadd.f32 v9, v7;
	v63 =	vmul.f32 v14, v14  }
0x65: {  	s23 =	sadd.s32 s4, s23;
	[tilespmem:s25+$0x15E20] =	vst v14;
	v1 =	vadd.f32 v14, v1;
	v6 =	vadd.f32 v62, v6  }
0x66: {  	[hbm4b:s23+s2] =	stream.linear.scatter [tilespmem:s12], [sflag:$0x2], $0x5000, $0x38;
	v2 =	vadd.f32 v8, v2;
	v0 =	vadd.f32 v63, v0;
	[tilespmem:$0x1AE80] =	vst v63  }
0x67: {  	_ =	swait.ge [sflag:s18], $0x5000  }
0x68: {  	[sflag:s18] =	ssyncset.done $0x0  }
0x69: {  	[sflag:s18] =	ssyncadd.s32 $0xFFFFB000  }
0x6a: {  	[tilespmem:$0x1AE00] =	vst v5  }
0x6b: {  	[tilespmem:$0x1AE40] =	vst v6  }
0x6c: {  	[tilespmem:$0x1AE10] =	vst v7  }
0x6d: {  	[tilespmem:$0x1AE50] =	vst v2  }
0x6e: {  	[tilespmem:$0x1AE20] =	vst v1  }
0x6f: {  	s21 =	sadd.s32 $0x1, s21;
	[tilespmem:$0x1AE60] =	vst v0  }
0x70: {  	p0 =	sne.s32 s21, s10;
	[tilespmem:$0x1AE30] =	vst v3  }
.Ltmp2:
0x71: {  	[tilespmem:$0x1AE70] =	vst v4;
	(pc) =	sbr.rel @p0 .LBB2_1-.Ltmp2, $4  }
0x72: {  	[hbm4b:s8+s2] =	stream.linear.scatter [tilespmem:s20], [sflag:$0x3], $0x80, $0x38;
	[tilespmem:$0x1AE80] =	vst v63  }
0x73: {  	_ =	swait.ge [sflag:s11], $0x80  }
0x74: {  	[sflag:s11] =	ssyncset.done $0x0  }
0x75: {  	[sflag:s11] =	ssyncadd.s32 $0xFFFFFF80  }
0x76: {  	_ =	sfence.sel $0x180000  }
0x77: {  	[bflag:$0x0] =	sbarrier.arrive $0xFFFF  }
0x78: {  	p0 =	sne.s32 s1, $0x0;
	_ =	strace $0x90000047  }
0x79: {  	s0 =	sadd.s32 @!p0 $0x100000, s0;
	[bflag:$0x2] =	sbarrier.arrive $0xFFFF  }
0x7a: {  	[sflag:s0] =	ssyncadd.tile.s32 @!p0 $0x1;
	_ =	shalt  }
.Lfunc_end2:
_tile_overlayer_lowered:
.L_overlay_start_2:
0x7b: {  	(tag) =	ssettag $0x2  }
0x7c: {  	s0 =	rddreg [dreg:$0x0];
	s2 =	stileid.u32  }
0x7d: {  	s1 =	rddreg [dreg:$0x1];
	p0 =	sne.s32 s2, $0x0  }
0x7e: {  	s3 =	rddreg [dreg:$0x2];
	[bflag:$0x3] =	sbarrier.arrive $0xFFFF;
	s2 =	simm.s32 @!p0 $0x1C03  }
0x7f: {  	[timem:s3], [sflag:s2] =	dma.local @!p0 [hbm:s0], s1  }
0x80: {  	s0 =	simm.s32 @!p0 $0x3  }
0x81: {  	_ =	swait.ge @!p0 [sflag:s0], s1  }
0x82: {  	s1 =	ssub.s32 @!p0 $0x0, s1;
	[sflag:s0] =	ssyncset.done @!p0 $0x0  }
0x83: {  	[sflag:s0] =	ssyncadd.s32 @!p0 s1  }
0x84: {  	[bflag:$0x3] =	sbarrier.arrive $0xFFFF  }
0x85: {  	_ =	shalt  }

</sc_bundles>
